<compile_context>
chip_gen: v7x
topology: tpu7x:2x2x1
jax: 0.10.2.dev20260603
libtpu: 0.0.44.dev20260713+nightly
codegen_flags: <defaults>
</compile_context>

<pallas_src>
import functools

import jax
import jax.numpy as jnp
from jax import lax
from jax.experimental import pallas as pl
from jax.experimental.pallas import tpu as pltpu
from jax.experimental.pallas import tpu_sc as plsc

VOCAB = 1000000
MAXLEN = 200
EMBED = 64
BATCH = 4096

NC = 2
NS = 16
NW = NC * NS
BW = BATCH // NW
BPC = 2
NCHUNK = BW // BPC
SUBS = ((0, 96), (96, 104))


_mesh = plsc.VectorSubcoreMesh(core_axis_name="c", subcore_axis_name="s")


@functools.partial(
    pl.kernel,
    mesh=_mesh,
    out_type=jax.ShapeDtypeStruct((BATCH, MAXLEN, EMBED), jnp.float32),
    scratch_types=[
        pltpu.VMEM((2 * BPC, MAXLEN), jnp.int32),
        pltpu.VMEM((BPC, MAXLEN, EMBED), jnp.float32),
        pltpu.VMEM((BPC, MAXLEN, EMBED), jnp.float32),
        pltpu.VMEM((MAXLEN, EMBED), jnp.float32),
        pltpu.SemaphoreType.DMA,
        pltpu.SemaphoreType.DMA,
        pltpu.SemaphoreType.DMA,
        pltpu.SemaphoreType.DMA,
    ],
    compiler_params=pltpu.CompilerParams(use_tc_tiling_on_sc=False),
)
def _embed_kernel(x_hbm, tok_hbm, pos_hbm, out_hbm,
                  idx_v, buf0, buf1, pos_v, gsem0, gsem1, osem0, osem1):
    wid = lax.axis_index("s") * NC + lax.axis_index("c")
    batch_base = wid * BW
    bufs = (buf0, buf1)
    gsems = (gsem0, gsem1)
    osems = (osem0, osem1)

    pltpu.sync_copy(pos_hbm, pos_v)

    def gather_parts(c, slot):
        brow = batch_base + c * BPC
        parts = []
        for b in range(BPC):
            for off, size in SUBS:
                parts.append((
                    tok_hbm.at[idx_v.at[slot * BPC + b, pl.ds(off, size)]],
                    bufs[slot].at[b, pl.ds(off, size)],
                    gsems[slot],
                ))
        return brow, parts

    def issue_gather(c, slot):
        brow, parts = gather_parts(c, slot)
        pltpu.sync_copy(x_hbm.at[pl.ds(brow, BPC)],
                        idx_v.at[pl.ds(slot * BPC, BPC)])
        for src, dst, sem in parts:
            pltpu.async_copy(src, dst, sem)

    def wait_gather(c, slot):
        _, parts = gather_parts(c, slot)
        for src, dst, sem in parts:
            pltpu.make_async_copy(src, dst, sem).wait()

    def issue_out(c, slot):
        brow = batch_base + c * BPC
        pltpu.async_copy(bufs[slot], out_hbm.at[pl.ds(brow, BPC)], osems[slot])

    def wait_out(slot):
        pltpu.make_async_copy(bufs[slot], out_hbm.at[pl.ds(batch_base, BPC)],
                              osems[slot]).wait()

    issue_gather(0, 0)

    def pair_body(i, carry):
        c0 = 2 * i
        for slot in range(2):
            c = c0 + slot
            nslot = 1 - slot
            nxt = c + 1

            @pl.when(nxt < NCHUNK)
            def _prefetch():
                @pl.when(c >= 1)
                def _reclaim():
                    wait_out(nslot)
                issue_gather(nxt, nslot)

            wait_gather(c, slot)
            buf = bufs[slot]

            def pos_add(p, carry2):
                for q in range(EMBED // 16):
                    sl = pl.ds(q * 16, 16)
                    pv = pos_v[p, sl]
                    for b in range(BPC):
                        buf[b, p, sl] = buf[b, p, sl] + pv
                return carry2

            lax.fori_loop(0, MAXLEN, pos_add, 0)
            issue_out(c, slot)
        return carry

    lax.fori_loop(0, NCHUNK // 2, pair_body, 0)
    wait_out(0)
    wait_out(1)


def kernel(x, token_table, pos_table):
    return _embed_kernel(x.astype(jnp.int32), token_table, pos_table)

# --- scband reference (transcript-rebuilt; emitter-appended) ---
"""Pipeline reference for scband-token-and-position-embedding-6116033429759 (READ-ONLY COPY).

The authoritative reference and input builder live on the scoring server;
editing this copy changes nothing except your own understanding.
"""

import jax, jax.numpy as jnp
import numpy as np

VOCAB = 1000000
MAXLEN = 200
EMBED = 64
BATCH = 4096

def setup_inputs(seed: int = 0) -> dict:
    key = jax.random.key(seed)
    k1, k2, k3 = jax.random.split(key, 3)
    x = jax.random.randint(k1, (BATCH, MAXLEN), 0, VOCAB, dtype=jnp.int64 if jax.config.jax_enable_x64 else jnp.int32)
    token_table = jax.random.normal(k2, (VOCAB, EMBED), dtype=jnp.float32) * 0.02
    pos_table = jax.random.normal(k3, (MAXLEN, EMBED), dtype=jnp.float32) * 0.02
    return {"x": x, "token_table": token_table, "pos_table": pos_table}

def reference(x, token_table, pos_table):
    maxlen = x.shape[-1]
    positions = jnp.arange(0, maxlen)
    pos_embedded = jnp.take(pos_table, positions, axis=0)   # [L, D]
    tok_embedded = jnp.take(token_table, x, axis=0)         # [B, L, D]
    return tok_embedded + pos_embedded[None, :, :]

if __name__ == "__main__":
    import jax
    _d = setup_inputs()
    print(jax.jit(kernel)(*tuple(_d.values())))

</pallas_src>

<mosaic_0001>
#map = affine_map<(d0, d1) -> (0, 0)>
#map1 = affine_map<(d0, d1) -> (0, 0, 0)>
module attributes {stable_mosaic.version = 14 : i64} {
  func.func @_embed_kernel(%arg0: i32, %arg1: i32, %arg2: memref<4096x200xi32, #tpu.memory_space<hbm>>, %arg3: memref<1000000x64xf32, #tpu.memory_space<hbm>>, %arg4: memref<200x64xf32, #tpu.memory_space<hbm>>, %arg5: memref<4096x200x64xf32, #tpu.memory_space<hbm>>, %arg6: memref<4x200xi32, #tpu.memory_space<vmem>>, %arg7: memref<2x200x64xf32, #tpu.memory_space<vmem>>, %arg8: memref<2x200x64xf32, #tpu.memory_space<vmem>>, %arg9: memref<200x64xf32, #tpu.memory_space<vmem>>, %arg10: memref<!tpu.dma_semaphore, #tpu.memory_space<semaphore_mem>>, %arg11: memref<!tpu.dma_semaphore, #tpu.memory_space<semaphore_mem>>, %arg12: memref<!tpu.dma_semaphore, #tpu.memory_space<semaphore_mem>>, %arg13: memref<!tpu.dma_semaphore, #tpu.memory_space<semaphore_mem>>) attributes {dimension_semantics = [#tpu.dimension_semantics<core_parallel>, #tpu.dimension_semantics<subcore_parallel>], iteration_bounds = array<i64: 2, 16>, scalar_prefetch = 0 : i64, scratch_operands = 8 : i64, tpu.core_type = #tpu.core_type<sc_vector_subcore>, window_params = [{transform_indices = #map}, {transform_indices = #map}, {transform_indices = #map}, {transform_indices = #map1}]} {
    %mul3A = arith.constant 2 : i32
    %mul3A_0 = arith.muli %arg1, %mul3A : i32
    %add3A = arith.addi %mul3A_0, %arg0 : i32
    %mul3A_1 = arith.constant 128 : i32
    %mul3A_2 = arith.muli %add3A, %mul3A_1 : i32
    "tpu.region"() ({
      %run_scoped3A = tpu.sem_alloc : memref<!tpu.dma_semaphore, #tpu.memory_space<semaphore_mem>>
      tpu.enqueue_dma source(%arg4 : memref<200x64xf32, #tpu.memory_space<hbm>>) target(%arg9 : memref<200x64xf32, #tpu.memory_space<vmem>>) target_semaphore(%run_scoped3A : memref<!tpu.dma_semaphore, #tpu.memory_space<semaphore_mem>>)
      tpu.wait_dma2 semaphore(%run_scoped3A : memref<!tpu.dma_semaphore, #tpu.memory_space<semaphore_mem>>) src(%arg4 : memref<200x64xf32, #tpu.memory_space<hbm>>) dst(%arg9 : memref<200x64xf32, #tpu.memory_space<vmem>>)
      tpu.yield
    }) : () -> ()
    %add3A_3 = arith.constant 0 : i32
    %add3A_4 = arith.addi %mul3A_2, %add3A_3 : i32
    "tpu.region"() ({
      %run_scoped3A = tpu.sem_alloc : memref<!tpu.dma_semaphore, #tpu.memory_space<semaphore_mem>>
      %dma_start3A_68 = arith.constant 0 : i32
      %dma_start3A_69 = arith.constant 0 : i32
      %dma_start3A_70 = tpu.memref_slice %arg6[%dma_start3A_68, %dma_start3A_69] : memref<4x200xi32, #tpu.memory_space<vmem>> -> memref<2x200xi32, #tpu.memory_space<vmem>>
      %dma_start3A_71 = arith.constant 0 : i32
      %dma_start3A_72 = tpu.memref_slice %arg2[%add3A_4, %dma_start3A_71] : memref<4096x200xi32, #tpu.memory_space<hbm>> -> memref<2x200xi32, #tpu.memory_space<hbm>>
      %dma_start3A_73 = arith.constant 0 : i32
      %dma_start3A_74 = arith.constant 0 : i32
      %dma_start3A_75 = tpu.memref_slice %arg6[%dma_start3A_73, %dma_start3A_74] : memref<4x200xi32, #tpu.memory_space<vmem>> -> memref<2x200xi32, #tpu.memory_space<vmem>>
      %dma_start3A_76 = arith.constant 0 : i32
      %dma_start3A_77 = tpu.memref_slice %arg2[%add3A_4, %dma_start3A_76] : memref<4096x200xi32, #tpu.memory_space<hbm>> -> memref<2x200xi32, #tpu.memory_space<hbm>>
      tpu.enqueue_dma source(%dma_start3A_77 : memref<2x200xi32, #tpu.memory_space<hbm>>) target(%dma_start3A_75 : memref<2x200xi32, #tpu.memory_space<vmem>>) target_semaphore(%run_scoped3A : memref<!tpu.dma_semaphore, #tpu.memory_space<semaphore_mem>>)
      %dma_wait3A_78 = arith.constant 0 : i32
      %dma_wait3A_79 = arith.constant 0 : i32
      %dma_wait3A_80 = tpu.memref_slice %arg6[%dma_wait3A_78, %dma_wait3A_79] : memref<4x200xi32, #tpu.memory_space<vmem>> -> memref<2x200xi32, #tpu.memory_space<vmem>>
      %dma_wait3A_81 = arith.constant 0 : i32
      %dma_wait3A_82 = tpu.memref_slice %arg2[%add3A_4, %dma_wait3A_81] : memref<4096x200xi32, #tpu.memory_space<hbm>> -> memref<2x200xi32, #tpu.memory_space<hbm>>
      %dma_wait3A_83 = arith.constant 0 : i32
      %dma_wait3A_84 = arith.constant 0 : i32
      %dma_wait3A_85 = tpu.memref_slice %arg6[%dma_wait3A_83, %dma_wait3A_84] : memref<4x200xi32, #tpu.memory_space<vmem>> -> memref<2x200xi32, #tpu.memory_space<vmem>>
      %dma_wait3A_86 = arith.constant 0 : i32
      %dma_wait3A_87 = tpu.memref_slice %arg2[%add3A_4, %dma_wait3A_86] : memref<4096x200xi32, #tpu.memory_space<hbm>> -> memref<2x200xi32, #tpu.memory_space<hbm>>
      tpu.wait_dma2 semaphore(%run_scoped3A : memref<!tpu.dma_semaphore, #tpu.memory_space<semaphore_mem>>) src(%dma_wait3A_87 : memref<2x200xi32, #tpu.memory_space<hbm>>) dst(%dma_wait3A_85 : memref<2x200xi32, #tpu.memory_space<vmem>>)
      tpu.yield
    }) : () -> ()
    %dma_start3A = arith.constant 0 : i32
    %dma_start3A_5 = arith.constant 0 : i32
    %dma_start3A_6 = arith.constant 0 : i32
    %dma_start3A_7 = arith.constant 0 : i32
    %dma_start3A_8 = tpu.memref_slice %arg7[%dma_start3A_5, %dma_start3A_6, %dma_start3A_7] : memref<2x200x64xf32, #tpu.memory_space<vmem>> -> memref<1x96x64xf32, #tpu.memory_space<vmem>>
    %dma_start3A_9 = tpu.memref_squeeze %dma_start3A_8 : memref<1x96x64xf32, #tpu.memory_space<vmem>> -> memref<96x64xf32, #tpu.memory_space<vmem>>
    %dma_start3A_10 = arith.constant 0 : i32
    %dma_start3A_11 = tpu.memref_slice %arg6[%dma_start3A, %dma_start3A_10] : memref<4x200xi32, #tpu.memory_space<vmem>> -> memref<1x96xi32, #tpu.memory_space<vmem>>
    %dma_start3A_12 = tpu.memref_squeeze %dma_start3A_11 : memref<1x96xi32, #tpu.memory_space<vmem>> -> memref<96xi32, #tpu.memory_space<vmem>>
    %dma_start3A_13 = arith.constant 0 : i32
    %dma_start3A_14 = arith.constant 0 : i32
    %dma_start3A_15 = tpu.memref_slice %arg3[%dma_start3A_13, %dma_start3A_14] : memref<1000000x64xf32, #tpu.memory_space<hbm>> -> memref<1000000x64xf32, #tpu.memory_space<hbm>>
    tpu.enqueue_indirect_dma source(%dma_start3A_15 : memref<1000000x64xf32, #tpu.memory_space<hbm>>) target(%dma_start3A_9 : memref<96x64xf32, #tpu.memory_space<vmem>>) offsets(%dma_start3A_12 : memref<96xi32, #tpu.memory_space<vmem>>) semaphore(%arg10 : memref<!tpu.dma_semaphore, #tpu.memory_space<semaphore_mem>>)
    %dma_start3A_16 = arith.constant 0 : i32
    %dma_start3A_17 = arith.constant 0 : i32
    %dma_start3A_18 = arith.constant 96 : i32
    %dma_start3A_19 = arith.constant 0 : i32
    %dma_start3A_20 = tpu.memref_slice %arg7[%dma_start3A_17, %dma_start3A_18, %dma_start3A_19] : memref<2x200x64xf32, #tpu.memory_space<vmem>> -> memref<1x104x64xf32, #tpu.memory_space<vmem>>
    %dma_start3A_21 = tpu.memref_squeeze %dma_start3A_20 : memref<1x104x64xf32, #tpu.memory_space<vmem>> -> memref<104x64xf32, #tpu.memory_space<vmem>>
    %dma_start3A_22 = arith.constant 96 : i32
    %dma_start3A_23 = tpu.memref_slice %arg6[%dma_start3A_16, %dma_start3A_22] : memref<4x200xi32, #tpu.memory_space<vmem>> -> memref<1x104xi32, #tpu.memory_space<vmem>>
    %dma_start3A_24 = tpu.memref_squeeze %dma_start3A_23 : memref<1x104xi32, #tpu.memory_space<vmem>> -> memref<104xi32, #tpu.memory_space<vmem>>
    %dma_start3A_25 = arith.constant 0 : i32
    %dma_start3A_26 = arith.constant 0 : i32
    %dma_start3A_27 = tpu.memref_slice %arg3[%dma_start3A_25, %dma_start3A_26] : memref<1000000x64xf32, #tpu.memory_space<hbm>> -> memref<1000000x64xf32, #tpu.memory_space<hbm>>
    tpu.enqueue_indirect_dma source(%dma_start3A_27 : memref<1000000x64xf32, #tpu.memory_space<hbm>>) target(%dma_start3A_21 : memref<104x64xf32, #tpu.memory_space<vmem>>) offsets(%dma_start3A_24 : memref<104xi32, #tpu.memory_space<vmem>>) semaphore(%arg10 : memref<!tpu.dma_semaphore, #tpu.memory_space<semaphore_mem>>)
    %dma_start3A_28 = arith.constant 1 : i32
    %dma_start3A_29 = arith.constant 1 : i32
    %dma_start3A_30 = arith.constant 0 : i32
    %dma_start3A_31 = arith.constant 0 : i32
    %dma_start3A_32 = tpu.memref_slice %arg7[%dma_start3A_29, %dma_start3A_30, %dma_start3A_31] : memref<2x200x64xf32, #tpu.memory_space<vmem>> -> memref<1x96x64xf32, #tpu.memory_space<vmem>>
    %dma_start3A_33 = tpu.memref_squeeze %dma_start3A_32 : memref<1x96x64xf32, #tpu.memory_space<vmem>> -> memref<96x64xf32, #tpu.memory_space<vmem>>
    %dma_start3A_34 = arith.constant 0 : i32
    %dma_start3A_35 = tpu.memref_slice %arg6[%dma_start3A_28, %dma_start3A_34] : memref<4x200xi32, #tpu.memory_space<vmem>> -> memref<1x96xi32, #tpu.memory_space<vmem>>
    %dma_start3A_36 = tpu.memref_squeeze %dma_start3A_35 : memref<1x96xi32, #tpu.memory_space<vmem>> -> memref<96xi32, #tpu.memory_space<vmem>>
    %dma_start3A_37 = arith.constant 0 : i32
    %dma_start3A_38 = arith.constant 0 : i32
    %dma_start3A_39 = tpu.memref_slice %arg3[%dma_start3A_37, %dma_start3A_38] : memref<1000000x64xf32, #tpu.memory_space<hbm>> -> memref<1000000x64xf32, #tpu.memory_space<hbm>>
    tpu.enqueue_indirect_dma source(%dma_start3A_39 : memref<1000000x64xf32, #tpu.memory_space<hbm>>) target(%dma_start3A_33 : memref<96x64xf32, #tpu.memory_space<vmem>>) offsets(%dma_start3A_36 : memref<96xi32, #tpu.memory_space<vmem>>) semaphore(%arg10 : memref<!tpu.dma_semaphore, #tpu.memory_space<semaphore_mem>>)
    %dma_start3A_40 = arith.constant 1 : i32
    %dma_start3A_41 = arith.constant 1 : i32
    %dma_start3A_42 = arith.constant 96 : i32
    %dma_start3A_43 = arith.constant 0 : i32
    %dma_start3A_44 = tpu.memref_slice %arg7[%dma_start3A_41, %dma_start3A_42, %dma_start3A_43] : memref<2x200x64xf32, #tpu.memory_space<vmem>> -> memref<1x104x64xf32, #tpu.memory_space<vmem>>
    %dma_start3A_45 = tpu.memref_squeeze %dma_start3A_44 : memref<1x104x64xf32, #tpu.memory_space<vmem>> -> memref<104x64xf32, #tpu.memory_space<vmem>>
    %dma_start3A_46 = arith.constant 96 : i32
    %dma_start3A_47 = tpu.memref_slice %arg6[%dma_start3A_40, %dma_start3A_46] : memref<4x200xi32, #tpu.memory_space<vmem>> -> memref<1x104xi32, #tpu.memory_space<vmem>>
    %dma_start3A_48 = tpu.memref_squeeze %dma_start3A_47 : memref<1x104xi32, #tpu.memory_space<vmem>> -> memref<104xi32, #tpu.memory_space<vmem>>
    %dma_start3A_49 = arith.constant 0 : i32
    %dma_start3A_50 = arith.constant 0 : i32
    %dma_start3A_51 = tpu.memref_slice %arg3[%dma_start3A_49, %dma_start3A_50] : memref<1000000x64xf32, #tpu.memory_space<hbm>> -> memref<1000000x64xf32, #tpu.memory_space<hbm>>
    tpu.enqueue_indirect_dma source(%dma_start3A_51 : memref<1000000x64xf32, #tpu.memory_space<hbm>>) target(%dma_start3A_45 : memref<104x64xf32, #tpu.memory_space<vmem>>) offsets(%dma_start3A_48 : memref<104xi32, #tpu.memory_space<vmem>>) semaphore(%arg10 : memref<!tpu.dma_semaphore, #tpu.memory_space<semaphore_mem>>)
    %scan3A = arith.constant 0 : i32
    %scan3A_52 = arith.constant 0 : i32
    %scan3A_53 = arith.constant 32 : i32
    %scan3A_54 = arith.addi %scan3A_52, %scan3A_53 : i32
    %scan3A_55 = arith.constant 1 : i32
    scf.for %scan3A_68 = %scan3A_52 to %scan3A_54 step %scan3A_55  : i32 {
      %mul3A_69 = arith.constant 2 : i32
      %mul3A_70 = arith.muli %mul3A_69, %scan3A_68 : i32
      %add3A_71 = arith.constant 0 : i32
      %add3A_72 = arith.addi %mul3A_70, %add3A_71 : i32
      %add3A_73 = arith.constant 1 : i32
      %add3A_74 = arith.addi %add3A_72, %add3A_73 : i32
      %lt3A = arith.constant 64 : i32
      %lt3A_75 = arith.cmpi slt, %add3A_74, %lt3A : i32
      %convert_element_type3A = arith.extui %lt3A_75 : i1 to i32
      %cond3A = arith.constant 0 : i32
      %cond3A_76 = arith.cmpi ne, %convert_element_type3A, %cond3A : i32
      scf.if %cond3A_76 {
        %ge3A = arith.constant 1 : i32
        %ge3A_218 = arith.cmpi sge, %add3A_72, %ge3A : i32
        %convert_element_type3A_219 = arith.extui %ge3A_218 : i1 to i32
        %cond3A_220 = arith.constant 0 : i32
        %cond3A_221 = arith.cmpi ne, %convert_element_type3A_219, %cond3A_220 : i32
        scf.if %cond3A_221 {
          %dma_wait3A_273 = arith.constant 0 : i32
          %dma_wait3A_274 = arith.constant 0 : i32
          %dma_wait3A_275 = tpu.memref_slice %arg5[%mul3A_2, %dma_wait3A_273, %dma_wait3A_274] : memref<4096x200x64xf32, #tpu.memory_space<hbm>> -> memref<2x200x64xf32, #tpu.memory_space<hbm>>
          %dma_wait3A_276 = arith.constant 0 : i32
          %dma_wait3A_277 = arith.constant 0 : i32
          %dma_wait3A_278 = tpu.memref_slice %arg5[%mul3A_2, %dma_wait3A_276, %dma_wait3A_277] : memref<4096x200x64xf32, #tpu.memory_space<hbm>> -> memref<2x200x64xf32, #tpu.memory_space<hbm>>
          tpu.wait_dma2 semaphore(%arg13 : memref<!tpu.dma_semaphore, #tpu.memory_space<semaphore_mem>>) src(%arg8 : memref<2x200x64xf32, #tpu.memory_space<vmem>>) dst(%dma_wait3A_278 : memref<2x200x64xf32, #tpu.memory_space<hbm>>)
        } else {
        }
        %mul3A_222 = arith.constant 2 : i32
        %mul3A_223 = arith.muli %add3A_74, %mul3A_222 : i32
        %add3A_224 = arith.addi %mul3A_2, %mul3A_223 : i32
        "tpu.region"() ({
          %run_scoped3A = tpu.sem_alloc : memref<!tpu.dma_semaphore, #tpu.memory_space<semaphore_mem>>
          %dma_start3A_273 = arith.constant 2 : i32
          %dma_start3A_274 = arith.constant 0 : i32
          %dma_start3A_275 = tpu.memref_slice %arg6[%dma_start3A_273, %dma_start3A_274] : memref<4x200xi32, #tpu.memory_space<vmem>> -> memref<2x200xi32, #tpu.memory_space<vmem>>
          %dma_start3A_276 = arith.constant 0 : i32
          %dma_start3A_277 = tpu.memref_slice %arg2[%add3A_224, %dma_start3A_276] : memref<4096x200xi32, #tpu.memory_space<hbm>> -> memref<2x200xi32, #tpu.memory_space<hbm>>
          %dma_start3A_278 = arith.constant 2 : i32
          %dma_start3A_279 = arith.constant 0 : i32
          %dma_start3A_280 = tpu.memref_slice %arg6[%dma_start3A_278, %dma_start3A_279] : memref<4x200xi32, #tpu.memory_space<vmem>> -> memref<2x200xi32, #tpu.memory_space<vmem>>
          %dma_start3A_281 = arith.constant 0 : i32
          %dma_start3A_282 = tpu.memref_slice %arg2[%add3A_224, %dma_start3A_281] : memref<4096x200xi32, #tpu.memory_space<hbm>> -> memref<2x200xi32, #tpu.memory_space<hbm>>
          tpu.enqueue_dma source(%dma_start3A_282 : memref<2x200xi32, #tpu.memory_space<hbm>>) target(%dma_start3A_280 : memref<2x200xi32, #tpu.memory_space<vmem>>) target_semaphore(%run_scoped3A : memref<!tpu.dma_semaphore, #tpu.memory_space<semaphore_mem>>)
          %dma_wait3A_283 = arith.constant 2 : i32
          %dma_wait3A_284 = arith.constant 0 : i32
          %dma_wait3A_285 = tpu.memref_slice %arg6[%dma_wait3A_283, %dma_wait3A_284] : memref<4x200xi32, #tpu.memory_space<vmem>> -> memref<2x200xi32, #tpu.memory_space<vmem>>
          %dma_wait3A_286 = arith.constant 0 : i32
          %dma_wait3A_287 = tpu.memref_slice %arg2[%add3A_224, %dma_wait3A_286] : memref<4096x200xi32, #tpu.memory_space<hbm>> -> memref<2x200xi32, #tpu.memory_space<hbm>>
          %dma_wait3A_288 = arith.constant 2 : i32
          %dma_wait3A_289 = arith.constant 0 : i32
          %dma_wait3A_290 = tpu.memref_slice %arg6[%dma_wait3A_288, %dma_wait3A_289] : memref<4x200xi32, #tpu.memory_space<vmem>> -> memref<2x200xi32, #tpu.memory_space<vmem>>
          %dma_wait3A_291 = arith.constant 0 : i32
          %dma_wait3A_292 = tpu.memref_slice %arg2[%add3A_224, %dma_wait3A_291] : memref<4096x200xi32, #tpu.memory_space<hbm>> -> memref<2x200xi32, #tpu.memory_space<hbm>>
          tpu.wait_dma2 semaphore(%run_scoped3A : memref<!tpu.dma_semaphore, #tpu.memory_space<semaphore_mem>>) src(%dma_wait3A_292 : memref<2x200xi32, #tpu.memory_space<hbm>>) dst(%dma_wait3A_290 : memref<2x200xi32, #tpu.memory_space<vmem>>)
          tpu.yield
        }) : () -> ()
        %dma_start3A_225 = arith.constant 2 : i32
        %dma_start3A_226 = arith.constant 0 : i32
        %dma_start3A_227 = arith.constant 0 : i32
        %dma_start3A_228 = arith.constant 0 : i32
        %dma_start3A_229 = tpu.memref_slice %arg8[%dma_start3A_226, %dma_start3A_227, %dma_start3A_228] : memref<2x200x64xf32, #tpu.memory_space<vmem>> -> memref<1x96x64xf32, #tpu.memory_space<vmem>>
        %dma_start3A_230 = tpu.memref_squeeze %dma_start3A_229 : memref<1x96x64xf32, #tpu.memory_space<vmem>> -> memref<96x64xf32, #tpu.memory_space<vmem>>
        %dma_start3A_231 = arith.constant 0 : i32
        %dma_start3A_232 = tpu.memref_slice %arg6[%dma_start3A_225, %dma_start3A_231] : memref<4x200xi32, #tpu.memory_space<vmem>> -> memref<1x96xi32, #tpu.memory_space<vmem>>
        %dma_start3A_233 = tpu.memref_squeeze %dma_start3A_232 : memref<1x96xi32, #tpu.memory_space<vmem>> -> memref<96xi32, #tpu.memory_space<vmem>>
        %dma_start3A_234 = arith.constant 0 : i32
        %dma_start3A_235 = arith.constant 0 : i32
        %dma_start3A_236 = tpu.memref_slice %arg3[%dma_start3A_234, %dma_start3A_235] : memref<1000000x64xf32, #tpu.memory_space<hbm>> -> memref<1000000x64xf32, #tpu.memory_space<hbm>>
        tpu.enqueue_indirect_dma source(%dma_start3A_236 : memref<1000000x64xf32, #tpu.memory_space<hbm>>) target(%dma_start3A_230 : memref<96x64xf32, #tpu.memory_space<vmem>>) offsets(%dma_start3A_233 : memref<96xi32, #tpu.memory_space<vmem>>) semaphore(%arg11 : memref<!tpu.dma_semaphore, #tpu.memory_space<semaphore_mem>>)
        %dma_start3A_237 = arith.constant 2 : i32
        %dma_start3A_238 = arith.constant 0 : i32
        %dma_start3A_239 = arith.constant 96 : i32
        %dma_start3A_240 = arith.constant 0 : i32
        %dma_start3A_241 = tpu.memref_slice %arg8[%dma_start3A_238, %dma_start3A_239, %dma_start3A_240] : memref<2x200x64xf32, #tpu.memory_space<vmem>> -> memref<1x104x64xf32, #tpu.memory_space<vmem>>
        %dma_start3A_242 = tpu.memref_squeeze %dma_start3A_241 : memref<1x104x64xf32, #tpu.memory_space<vmem>> -> memref<104x64xf32, #tpu.memory_space<vmem>>
        %dma_start3A_243 = arith.constant 96 : i32
        %dma_start3A_244 = tpu.memref_slice %arg6[%dma_start3A_237, %dma_start3A_243] : memref<4x200xi32, #tpu.memory_space<vmem>> -> memref<1x104xi32, #tpu.memory_space<vmem>>
        %dma_start3A_245 = tpu.memref_squeeze %dma_start3A_244 : memref<1x104xi32, #tpu.memory_space<vmem>> -> memref<104xi32, #tpu.memory_space<vmem>>
        %dma_start3A_246 = arith.constant 0 : i32
        %dma_start3A_247 = arith.constant 0 : i32
        %dma_start3A_248 = tpu.memref_slice %arg3[%dma_start3A_246, %dma_start3A_247] : memref<1000000x64xf32, #tpu.memory_space<hbm>> -> memref<1000000x64xf32, #tpu.memory_space<hbm>>
        tpu.enqueue_indirect_dma source(%dma_start3A_248 : memref<1000000x64xf32, #tpu.memory_space<hbm>>) target(%dma_start3A_242 : memref<104x64xf32, #tpu.memory_space<vmem>>) offsets(%dma_start3A_245 : memref<104xi32, #tpu.memory_space<vmem>>) semaphore(%arg11 : memref<!tpu.dma_semaphore, #tpu.memory_space<semaphore_mem>>)
        %dma_start3A_249 = arith.constant 3 : i32
        %dma_start3A_250 = arith.constant 1 : i32
        %dma_start3A_251 = arith.constant 0 : i32
        %dma_start3A_252 = arith.constant 0 : i32
        %dma_start3A_253 = tpu.memref_slice %arg8[%dma_start3A_250, %dma_start3A_251, %dma_start3A_252] : memref<2x200x64xf32, #tpu.memory_space<vmem>> -> memref<1x96x64xf32, #tpu.memory_space<vmem>>
        %dma_start3A_254 = tpu.memref_squeeze %dma_start3A_253 : memref<1x96x64xf32, #tpu.memory_space<vmem>> -> memref<96x64xf32, #tpu.memory_space<vmem>>
        %dma_start3A_255 = arith.constant 0 : i32
        %dma_start3A_256 = tpu.memref_slice %arg6[%dma_start3A_249, %dma_start3A_255] : memref<4x200xi32, #tpu.memory_space<vmem>> -> memref<1x96xi32, #tpu.memory_space<vmem>>
        %dma_start3A_257 = tpu.memref_squeeze %dma_start3A_256 : memref<1x96xi32, #tpu.memory_space<vmem>> -> memref<96xi32, #tpu.memory_space<vmem>>
        %dma_start3A_258 = arith.constant 0 : i32
        %dma_start3A_259 = arith.constant 0 : i32
        %dma_start3A_260 = tpu.memref_slice %arg3[%dma_start3A_258, %dma_start3A_259] : memref<1000000x64xf32, #tpu.memory_space<hbm>> -> memref<1000000x64xf32, #tpu.memory_space<hbm>>
        tpu.enqueue_indirect_dma source(%dma_start3A_260 : memref<1000000x64xf32, #tpu.memory_space<hbm>>) target(%dma_start3A_254 : memref<96x64xf32, #tpu.memory_space<vmem>>) offsets(%dma_start3A_257 : memref<96xi32, #tpu.memory_space<vmem>>) semaphore(%arg11 : memref<!tpu.dma_semaphore, #tpu.memory_space<semaphore_mem>>)
        %dma_start3A_261 = arith.constant 3 : i32
        %dma_start3A_262 = arith.constant 1 : i32
        %dma_start3A_263 = arith.constant 96 : i32
        %dma_start3A_264 = arith.constant 0 : i32
        %dma_start3A_265 = tpu.memref_slice %arg8[%dma_start3A_262, %dma_start3A_263, %dma_start3A_264] : memref<2x200x64xf32, #tpu.memory_space<vmem>> -> memref<1x104x64xf32, #tpu.memory_space<vmem>>
        %dma_start3A_266 = tpu.memref_squeeze %dma_start3A_265 : memref<1x104x64xf32, #tpu.memory_space<vmem>> -> memref<104x64xf32, #tpu.memory_space<vmem>>
        %dma_start3A_267 = arith.constant 96 : i32
        %dma_start3A_268 = tpu.memref_slice %arg6[%dma_start3A_261, %dma_start3A_267] : memref<4x200xi32, #tpu.memory_space<vmem>> -> memref<1x104xi32, #tpu.memory_space<vmem>>
        %dma_start3A_269 = tpu.memref_squeeze %dma_start3A_268 : memref<1x104xi32, #tpu.memory_space<vmem>> -> memref<104xi32, #tpu.memory_space<vmem>>
        %dma_start3A_270 = arith.constant 0 : i32
        %dma_start3A_271 = arith.constant 0 : i32
        %dma_start3A_272 = tpu.memref_slice %arg3[%dma_start3A_270, %dma_start3A_271] : memref<1000000x64xf32, #tpu.memory_space<hbm>> -> memref<1000000x64xf32, #tpu.memory_space<hbm>>
        tpu.enqueue_indirect_dma source(%dma_start3A_272 : memref<1000000x64xf32, #tpu.memory_space<hbm>>) target(%dma_start3A_266 : memref<104x64xf32, #tpu.memory_space<vmem>>) offsets(%dma_start3A_269 : memref<104xi32, #tpu.memory_space<vmem>>) semaphore(%arg11 : memref<!tpu.dma_semaphore, #tpu.memory_space<semaphore_mem>>)
      } else {
      }
      %mul3A_77 = arith.constant 2 : i32
      %mul3A_78 = arith.muli %add3A_72, %mul3A_77 : i32
      %add3A_79 = arith.addi %mul3A_2, %mul3A_78 : i32
      %dma_wait3A_80 = arith.constant 0 : i32
      %dma_wait3A_81 = arith.constant 0 : i32
      %dma_wait3A_82 = arith.constant 0 : i32
      %dma_wait3A_83 = arith.constant 0 : i32
      %dma_wait3A_84 = tpu.memref_slice %arg7[%dma_wait3A_81, %dma_wait3A_82, %dma_wait3A_83] : memref<2x200x64xf32, #tpu.memory_space<vmem>> -> memref<1x96x64xf32, #tpu.memory_space<vmem>>
      %dma_wait3A_85 = tpu.memref_squeeze %dma_wait3A_84 : memref<1x96x64xf32, #tpu.memory_space<vmem>> -> memref<96x64xf32, #tpu.memory_space<vmem>>
      %dma_wait3A_86 = arith.constant 0 : i32
      %dma_wait3A_87 = tpu.memref_slice %arg6[%dma_wait3A_80, %dma_wait3A_86] : memref<4x200xi32, #tpu.memory_space<vmem>> -> memref<1x96xi32, #tpu.memory_space<vmem>>
      %dma_wait3A_88 = tpu.memref_squeeze %dma_wait3A_87 : memref<1x96xi32, #tpu.memory_space<vmem>> -> memref<96xi32, #tpu.memory_space<vmem>>
      %dma_wait3A_89 = arith.constant 0 : i32
      %dma_wait3A_90 = arith.constant 0 : i32
      %dma_wait3A_91 = tpu.memref_slice %arg3[%dma_wait3A_89, %dma_wait3A_90] : memref<1000000x64xf32, #tpu.memory_space<hbm>> -> memref<1000000x64xf32, #tpu.memory_space<hbm>>
      tpu.wait_indirect_dma semaphore(%arg10 : memref<!tpu.dma_semaphore, #tpu.memory_space<semaphore_mem>>) src(%dma_wait3A_91 : memref<1000000x64xf32, #tpu.memory_space<hbm>>) dst(%dma_wait3A_85 : memref<96x64xf32, #tpu.memory_space<vmem>>)
      %dma_wait3A_92 = arith.constant 0 : i32
      %dma_wait3A_93 = arith.constant 0 : i32
      %dma_wait3A_94 = arith.constant 96 : i32
      %dma_wait3A_95 = arith.constant 0 : i32
      %dma_wait3A_96 = tpu.memref_slice %arg7[%dma_wait3A_93, %dma_wait3A_94, %dma_wait3A_95] : memref<2x200x64xf32, #tpu.memory_space<vmem>> -> memref<1x104x64xf32, #tpu.memory_space<vmem>>
      %dma_wait3A_97 = tpu.memref_squeeze %dma_wait3A_96 : memref<1x104x64xf32, #tpu.memory_space<vmem>> -> memref<104x64xf32, #tpu.memory_space<vmem>>
      %dma_wait3A_98 = arith.constant 96 : i32
      %dma_wait3A_99 = tpu.memref_slice %arg6[%dma_wait3A_92, %dma_wait3A_98] : memref<4x200xi32, #tpu.memory_space<vmem>> -> memref<1x104xi32, #tpu.memory_space<vmem>>
      %dma_wait3A_100 = tpu.memref_squeeze %dma_wait3A_99 : memref<1x104xi32, #tpu.memory_space<vmem>> -> memref<104xi32, #tpu.memory_space<vmem>>
      %dma_wait3A_101 = arith.constant 0 : i32
      %dma_wait3A_102 = arith.constant 0 : i32
      %dma_wait3A_103 = tpu.memref_slice %arg3[%dma_wait3A_101, %dma_wait3A_102] : memref<1000000x64xf32, #tpu.memory_space<hbm>> -> memref<1000000x64xf32, #tpu.memory_space<hbm>>
      tpu.wait_indirect_dma semaphore(%arg10 : memref<!tpu.dma_semaphore, #tpu.memory_space<semaphore_mem>>) src(%dma_wait3A_103 : memref<1000000x64xf32, #tpu.memory_space<hbm>>) dst(%dma_wait3A_97 : memref<104x64xf32, #tpu.memory_space<vmem>>)
      %dma_wait3A_104 = arith.constant 1 : i32
      %dma_wait3A_105 = arith.constant 1 : i32
      %dma_wait3A_106 = arith.constant 0 : i32
      %dma_wait3A_107 = arith.constant 0 : i32
      %dma_wait3A_108 = tpu.memref_slice %arg7[%dma_wait3A_105, %dma_wait3A_106, %dma_wait3A_107] : memref<2x200x64xf32, #tpu.memory_space<vmem>> -> memref<1x96x64xf32, #tpu.memory_space<vmem>>
      %dma_wait3A_109 = tpu.memref_squeeze %dma_wait3A_108 : memref<1x96x64xf32, #tpu.memory_space<vmem>> -> memref<96x64xf32, #tpu.memory_space<vmem>>
      %dma_wait3A_110 = arith.constant 0 : i32
      %dma_wait3A_111 = tpu.memref_slice %arg6[%dma_wait3A_104, %dma_wait3A_110] : memref<4x200xi32, #tpu.memory_space<vmem>> -> memref<1x96xi32, #tpu.memory_space<vmem>>
      %dma_wait3A_112 = tpu.memref_squeeze %dma_wait3A_111 : memref<1x96xi32, #tpu.memory_space<vmem>> -> memref<96xi32, #tpu.memory_space<vmem>>
      %dma_wait3A_113 = arith.constant 0 : i32
      %dma_wait3A_114 = arith.constant 0 : i32
      %dma_wait3A_115 = tpu.memref_slice %arg3[%dma_wait3A_113, %dma_wait3A_114] : memref<1000000x64xf32, #tpu.memory_space<hbm>> -> memref<1000000x64xf32, #tpu.memory_space<hbm>>
      tpu.wait_indirect_dma semaphore(%arg10 : memref<!tpu.dma_semaphore, #tpu.memory_space<semaphore_mem>>) src(%dma_wait3A_115 : memref<1000000x64xf32, #tpu.memory_space<hbm>>) dst(%dma_wait3A_109 : memref<96x64xf32, #tpu.memory_space<vmem>>)
      %dma_wait3A_116 = arith.constant 1 : i32
      %dma_wait3A_117 = arith.constant 1 : i32
      %dma_wait3A_118 = arith.constant 96 : i32
      %dma_wait3A_119 = arith.constant 0 : i32
      %dma_wait3A_120 = tpu.memref_slice %arg7[%dma_wait3A_117, %dma_wait3A_118, %dma_wait3A_119] : memref<2x200x64xf32, #tpu.memory_space<vmem>> -> memref<1x104x64xf32, #tpu.memory_space<vmem>>
      %dma_wait3A_121 = tpu.memref_squeeze %dma_wait3A_120 : memref<1x104x64xf32, #tpu.memory_space<vmem>> -> memref<104x64xf32, #tpu.memory_space<vmem>>
      %dma_wait3A_122 = arith.constant 96 : i32
      %dma_wait3A_123 = tpu.memref_slice %arg6[%dma_wait3A_116, %dma_wait3A_122] : memref<4x200xi32, #tpu.memory_space<vmem>> -> memref<1x104xi32, #tpu.memory_space<vmem>>
      %dma_wait3A_124 = tpu.memref_squeeze %dma_wait3A_123 : memref<1x104xi32, #tpu.memory_space<vmem>> -> memref<104xi32, #tpu.memory_space<vmem>>
      %dma_wait3A_125 = arith.constant 0 : i32
      %dma_wait3A_126 = arith.constant 0 : i32
      %dma_wait3A_127 = tpu.memref_slice %arg3[%dma_wait3A_125, %dma_wait3A_126] : memref<1000000x64xf32, #tpu.memory_space<hbm>> -> memref<1000000x64xf32, #tpu.memory_space<hbm>>
      tpu.wait_indirect_dma semaphore(%arg10 : memref<!tpu.dma_semaphore, #tpu.memory_space<semaphore_mem>>) src(%dma_wait3A_127 : memref<1000000x64xf32, #tpu.memory_space<hbm>>) dst(%dma_wait3A_121 : memref<104x64xf32, #tpu.memory_space<vmem>>)
      %scan3A_128 = arith.constant 0 : i32
      %scan3A_129 = arith.constant 0 : i32
      %scan3A_130 = arith.constant 200 : i32
      %scan3A_131 = arith.addi %scan3A_129, %scan3A_130 : i32
      %scan3A_132 = arith.constant 1 : i32
      scf.for %scan3A_218 = %scan3A_129 to %scan3A_131 step %scan3A_132  : i32 {
        %get3A = arith.index_cast %scan3A_218 : i32 to index
        %get3A_219 = arith.constant 0 : index
        %get3A_220 = tpu.vector_load %arg9[%get3A, %get3A_219] {strides = array<i32>} : memref<200x64xf32, #tpu.memory_space<vmem>>, vector<1x16xf32>,
        %get3A_221 = vector.shape_cast %get3A_220 : vector<1x16xf32> to vector<16xf32>
        %get3A_222 = arith.constant 0 : i32
        %get3A_223 = arith.index_cast %get3A_222 : i32 to index
        %get3A_224 = arith.index_cast %scan3A_218 : i32 to index
        %get3A_225 = arith.constant 0 : index
        %get3A_226 = tpu.vector_load %arg7[%get3A_223, %get3A_224, %get3A_225] {strides = array<i32>} : memref<2x200x64xf32, #tpu.memory_space<vmem>>, vector<1x1x16xf32>,
        %get3A_227 = vector.shape_cast %get3A_226 : vector<1x1x16xf32> to vector<16xf32>
        %add3A_228 = arith.addf %get3A_227, %get3A_221 : vector<16xf32>
        %swap3A = arith.constant 0 : i32
        %swap3A_229 = arith.index_cast %swap3A : i32 to index
        %swap3A_230 = arith.index_cast %scan3A_218 : i32 to index
        %swap3A_231 = arith.constant 0 : index
        %swap3A_232 = tpu.vector_load %arg7[%swap3A_229, %swap3A_230, %swap3A_231] {strides = array<i32>} : memref<2x200x64xf32, #tpu.memory_space<vmem>>, vector<1x1x16xf32>,
        %swap3A_233 = vector.shape_cast %swap3A_232 : vector<1x1x16xf32> to vector<16xf32>
        %swap3A_234 = vector.shape_cast %add3A_228 : vector<16xf32> to vector<1x1x16xf32>
        tpu.vector_store %arg7[%swap3A_229, %swap3A_230, %swap3A_231], %swap3A_234 {strides = array<i32>} : memref<2x200x64xf32, #tpu.memory_space<vmem>>, vector<1x1x16xf32>,
        %get3A_235 = arith.constant 1 : i32
        %get3A_236 = arith.index_cast %get3A_235 : i32 to index
        %get3A_237 = arith.index_cast %scan3A_218 : i32 to index
        %get3A_238 = arith.constant 0 : index
        %get3A_239 = tpu.vector_load %arg7[%get3A_236, %get3A_237, %get3A_238] {strides = array<i32>} : memref<2x200x64xf32, #tpu.memory_space<vmem>>, vector<1x1x16xf32>,
        %get3A_240 = vector.shape_cast %get3A_239 : vector<1x1x16xf32> to vector<16xf32>
        %add3A_241 = arith.addf %get3A_240, %get3A_221 : vector<16xf32>
        %swap3A_242 = arith.constant 1 : i32
        %swap3A_243 = arith.index_cast %swap3A_242 : i32 to index
        %swap3A_244 = arith.index_cast %scan3A_218 : i32 to index
        %swap3A_245 = arith.constant 0 : index
        %swap3A_246 = tpu.vector_load %arg7[%swap3A_243, %swap3A_244, %swap3A_245] {strides = array<i32>} : memref<2x200x64xf32, #tpu.memory_space<vmem>>, vector<1x1x16xf32>,
        %swap3A_247 = vector.shape_cast %swap3A_246 : vector<1x1x16xf32> to vector<16xf32>
        %swap3A_248 = vector.shape_cast %add3A_241 : vector<16xf32> to vector<1x1x16xf32>
        tpu.vector_store %arg7[%swap3A_243, %swap3A_244, %swap3A_245], %swap3A_248 {strides = array<i32>} : memref<2x200x64xf32, #tpu.memory_space<vmem>>, vector<1x1x16xf32>,
        %get3A_249 = arith.index_cast %scan3A_218 : i32 to index
        %get3A_250 = arith.constant 16 : index
        %get3A_251 = tpu.vector_load %arg9[%get3A_249, %get3A_250] {strides = array<i32>} : memref<200x64xf32, #tpu.memory_space<vmem>>, vector<1x16xf32>,
        %get3A_252 = vector.shape_cast %get3A_251 : vector<1x16xf32> to vector<16xf32>
        %get3A_253 = arith.constant 0 : i32
        %get3A_254 = arith.index_cast %get3A_253 : i32 to index
        %get3A_255 = arith.index_cast %scan3A_218 : i32 to index
        %get3A_256 = arith.constant 16 : index
        %get3A_257 = tpu.vector_load %arg7[%get3A_254, %get3A_255, %get3A_256] {strides = array<i32>} : memref<2x200x64xf32, #tpu.memory_space<vmem>>, vector<1x1x16xf32>,
        %get3A_258 = vector.shape_cast %get3A_257 : vector<1x1x16xf32> to vector<16xf32>
        %add3A_259 = arith.addf %get3A_258, %get3A_252 : vector<16xf32>
        %swap3A_260 = arith.constant 0 : i32
        %swap3A_261 = arith.index_cast %swap3A_260 : i32 to index
        %swap3A_262 = arith.index_cast %scan3A_218 : i32 to index
        %swap3A_263 = arith.constant 16 : index
        %swap3A_264 = tpu.vector_load %arg7[%swap3A_261, %swap3A_262, %swap3A_263] {strides = array<i32>} : memref<2x200x64xf32, #tpu.memory_space<vmem>>, vector<1x1x16xf32>,
        %swap3A_265 = vector.shape_cast %swap3A_264 : vector<1x1x16xf32> to vector<16xf32>
        %swap3A_266 = vector.shape_cast %add3A_259 : vector<16xf32> to vector<1x1x16xf32>
        tpu.vector_store %arg7[%swap3A_261, %swap3A_262, %swap3A_263], %swap3A_266 {strides = array<i32>} : memref<2x200x64xf32, #tpu.memory_space<vmem>>, vector<1x1x16xf32>,
        %get3A_267 = arith.constant 1 : i32
        %get3A_268 = arith.index_cast %get3A_267 : i32 to index
        %get3A_269 = arith.index_cast %scan3A_218 : i32 to index
        %get3A_270 = arith.constant 16 : index
        %get3A_271 = tpu.vector_load %arg7[%get3A_268, %get3A_269, %get3A_270] {strides = array<i32>} : memref<2x200x64xf32, #tpu.memory_space<vmem>>, vector<1x1x16xf32>,
        %get3A_272 = vector.shape_cast %get3A_271 : vector<1x1x16xf32> to vector<16xf32>
        %add3A_273 = arith.addf %get3A_272, %get3A_252 : vector<16xf32>
        %swap3A_274 = arith.constant 1 : i32
        %swap3A_275 = arith.index_cast %swap3A_274 : i32 to index
        %swap3A_276 = arith.index_cast %scan3A_218 : i32 to index
        %swap3A_277 = arith.constant 16 : index
        %swap3A_278 = tpu.vector_load %arg7[%swap3A_275, %swap3A_276, %swap3A_277] {strides = array<i32>} : memref<2x200x64xf32, #tpu.memory_space<vmem>>, vector<1x1x16xf32>,
        %swap3A_279 = vector.shape_cast %swap3A_278 : vector<1x1x16xf32> to vector<16xf32>
        %swap3A_280 = vector.shape_cast %add3A_273 : vector<16xf32> to vector<1x1x16xf32>
        tpu.vector_store %arg7[%swap3A_275, %swap3A_276, %swap3A_277], %swap3A_280 {strides = array<i32>} : memref<2x200x64xf32, #tpu.memory_space<vmem>>, vector<1x1x16xf32>,
        %get3A_281 = arith.index_cast %scan3A_218 : i32 to index
        %get3A_282 = arith.constant 32 : index
        %get3A_283 = tpu.vector_load %arg9[%get3A_281, %get3A_282] {strides = array<i32>} : memref<200x64xf32, #tpu.memory_space<vmem>>, vector<1x16xf32>,
        %get3A_284 = vector.shape_cast %get3A_283 : vector<1x16xf32> to vector<16xf32>
        %get3A_285 = arith.constant 0 : i32
        %get3A_286 = arith.index_cast %get3A_285 : i32 to index
        %get3A_287 = arith.index_cast %scan3A_218 : i32 to index
        %get3A_288 = arith.constant 32 : index
        %get3A_289 = tpu.vector_load %arg7[%get3A_286, %get3A_287, %get3A_288] {strides = array<i32>} : memref<2x200x64xf32, #tpu.memory_space<vmem>>, vector<1x1x16xf32>,
        %get3A_290 = vector.shape_cast %get3A_289 : vector<1x1x16xf32> to vector<16xf32>
        %add3A_291 = arith.addf %get3A_290, %get3A_284 : vector<16xf32>
        %swap3A_292 = arith.constant 0 : i32
        %swap3A_293 = arith.index_cast %swap3A_292 : i32 to index
        %swap3A_294 = arith.index_cast %scan3A_218 : i32 to index
        %swap3A_295 = arith.constant 32 : index
        %swap3A_296 = tpu.vector_load %arg7[%swap3A_293, %swap3A_294, %swap3A_295] {strides = array<i32>} : memref<2x200x64xf32, #tpu.memory_space<vmem>>, vector<1x1x16xf32>,
        %swap3A_297 = vector.shape_cast %swap3A_296 : vector<1x1x16xf32> to vector<16xf32>
        %swap3A_298 = vector.shape_cast %add3A_291 : vector<16xf32> to vector<1x1x16xf32>
        tpu.vector_store %arg7[%swap3A_293, %swap3A_294, %swap3A_295], %swap3A_298 {strides = array<i32>} : memref<2x200x64xf32, #tpu.memory_space<vmem>>, vector<1x1x16xf32>,
        %get3A_299 = arith.constant 1 : i32
        %get3A_300 = arith.index_cast %get3A_299 : i32 to index
        %get3A_301 = arith.index_cast %scan3A_218 : i32 to index
        %get3A_302 = arith.constant 32 : index
        %get3A_303 = tpu.vector_load %arg7[%get3A_300, %get3A_301, %get3A_302] {strides = array<i32>} : memref<2x200x64xf32, #tpu.memory_space<vmem>>, vector<1x1x16xf32>,
        %get3A_304 = vector.shape_cast %get3A_303 : vector<1x1x16xf32> to vector<16xf32>
        %add3A_305 = arith.addf %get3A_304, %get3A_284 : vector<16xf32>
        %swap3A_306 = arith.constant 1 : i32
        %swap3A_307 = arith.index_cast %swap3A_306 : i32 to index
        %swap3A_308 = arith.index_cast %scan3A_218 : i32 to index
        %swap3A_309 = arith.constant 32 : index
        %swap3A_310 = tpu.vector_load %arg7[%swap3A_307, %swap3A_308, %swap3A_309] {strides = array<i32>} : memref<2x200x64xf32, #tpu.memory_space<vmem>>, vector<1x1x16xf32>,
        %swap3A_311 = vector.shape_cast %swap3A_310 : vector<1x1x16xf32> to vector<16xf32>
        %swap3A_312 = vector.shape_cast %add3A_305 : vector<16xf32> to vector<1x1x16xf32>
        tpu.vector_store %arg7[%swap3A_307, %swap3A_308, %swap3A_309], %swap3A_312 {strides = array<i32>} : memref<2x200x64xf32, #tpu.memory_space<vmem>>, vector<1x1x16xf32>,
        %get3A_313 = arith.index_cast %scan3A_218 : i32 to index
        %get3A_314 = arith.constant 48 : index
        %get3A_315 = tpu.vector_load %arg9[%get3A_313, %get3A_314] {strides = array<i32>} : memref<200x64xf32, #tpu.memory_space<vmem>>, vector<1x16xf32>,
        %get3A_316 = vector.shape_cast %get3A_315 : vector<1x16xf32> to vector<16xf32>
        %get3A_317 = arith.constant 0 : i32
        %get3A_318 = arith.index_cast %get3A_317 : i32 to index
        %get3A_319 = arith.index_cast %scan3A_218 : i32 to index
        %get3A_320 = arith.constant 48 : index
        %get3A_321 = tpu.vector_load %arg7[%get3A_318, %get3A_319, %get3A_320] {strides = array<i32>} : memref<2x200x64xf32, #tpu.memory_space<vmem>>, vector<1x1x16xf32>,
        %get3A_322 = vector.shape_cast %get3A_321 : vector<1x1x16xf32> to vector<16xf32>
        %add3A_323 = arith.addf %get3A_322, %get3A_316 : vector<16xf32>
        %swap3A_324 = arith.constant 0 : i32
        %swap3A_325 = arith.index_cast %swap3A_324 : i32 to index
        %swap3A_326 = arith.index_cast %scan3A_218 : i32 to index
        %swap3A_327 = arith.constant 48 : index
        %swap3A_328 = tpu.vector_load %arg7[%swap3A_325, %swap3A_326, %swap3A_327] {strides = array<i32>} : memref<2x200x64xf32, #tpu.memory_space<vmem>>, vector<1x1x16xf32>,
        %swap3A_329 = vector.shape_cast %swap3A_328 : vector<1x1x16xf32> to vector<16xf32>
        %swap3A_330 = vector.shape_cast %add3A_323 : vector<16xf32> to vector<1x1x16xf32>
        tpu.vector_store %arg7[%swap3A_325, %swap3A_326, %swap3A_327], %swap3A_330 {strides = array<i32>} : memref<2x200x64xf32, #tpu.memory_space<vmem>>, vector<1x1x16xf32>,
        %get3A_331 = arith.constant 1 : i32
        %get3A_332 = arith.index_cast %get3A_331 : i32 to index
        %get3A_333 = arith.index_cast %scan3A_218 : i32 to index
        %get3A_334 = arith.constant 48 : index
        %get3A_335 = tpu.vector_load %arg7[%get3A_332, %get3A_333, %get3A_334] {strides = array<i32>} : memref<2x200x64xf32, #tpu.memory_space<vmem>>, vector<1x1x16xf32>,
        %get3A_336 = vector.shape_cast %get3A_335 : vector<1x1x16xf32> to vector<16xf32>
        %add3A_337 = arith.addf %get3A_336, %get3A_316 : vector<16xf32>
        %swap3A_338 = arith.constant 1 : i32
        %swap3A_339 = arith.index_cast %swap3A_338 : i32 to index
        %swap3A_340 = arith.index_cast %scan3A_218 : i32 to index
        %swap3A_341 = arith.constant 48 : index
        %swap3A_342 = tpu.vector_load %arg7[%swap3A_339, %swap3A_340, %swap3A_341] {strides = array<i32>} : memref<2x200x64xf32, #tpu.memory_space<vmem>>, vector<1x1x16xf32>,
        %swap3A_343 = vector.shape_cast %swap3A_342 : vector<1x1x16xf32> to vector<16xf32>
        %swap3A_344 = vector.shape_cast %add3A_337 : vector<16xf32> to vector<1x1x16xf32>
        tpu.vector_store %arg7[%swap3A_339, %swap3A_340, %swap3A_341], %swap3A_344 {strides = array<i32>} : memref<2x200x64xf32, #tpu.memory_space<vmem>>, vector<1x1x16xf32>,
      }
      %scan3A_133 = arith.constant 200 : i32
      %mul3A_134 = arith.constant 2 : i32
      %mul3A_135 = arith.muli %add3A_72, %mul3A_134 : i32
      %add3A_136 = arith.addi %mul3A_2, %mul3A_135 : i32
      %dma_start3A_137 = arith.constant 0 : i32
      %dma_start3A_138 = arith.constant 0 : i32
      %dma_start3A_139 = tpu.memref_slice %arg5[%add3A_136, %dma_start3A_137, %dma_start3A_138] : memref<4096x200x64xf32, #tpu.memory_space<hbm>> -> memref<2x200x64xf32, #tpu.memory_space<hbm>>
      %dma_start3A_140 = arith.constant 0 : i32
      %dma_start3A_141 = arith.constant 0 : i32
      %dma_start3A_142 = tpu.memref_slice %arg5[%add3A_136, %dma_start3A_140, %dma_start3A_141] : memref<4096x200x64xf32, #tpu.memory_space<hbm>> -> memref<2x200x64xf32, #tpu.memory_space<hbm>>
      tpu.enqueue_dma source(%arg7 : memref<2x200x64xf32, #tpu.memory_space<vmem>>) target(%dma_start3A_142 : memref<2x200x64xf32, #tpu.memory_space<hbm>>) target_semaphore(%arg12 : memref<!tpu.dma_semaphore, #tpu.memory_space<semaphore_mem>>)
      %add3A_143 = arith.constant 1 : i32
      %add3A_144 = arith.addi %mul3A_70, %add3A_143 : i32
      %add3A_145 = arith.constant 1 : i32
      %add3A_146 = arith.addi %add3A_144, %add3A_145 : i32
      %lt3A_147 = arith.constant 64 : i32
      %lt3A_148 = arith.cmpi slt, %add3A_146, %lt3A_147 : i32
      %convert_element_type3A_149 = arith.extui %lt3A_148 : i1 to i32
      %cond3A_150 = arith.constant 0 : i32
      %cond3A_151 = arith.cmpi ne, %convert_element_type3A_149, %cond3A_150 : i32
      scf.if %cond3A_151 {
        %ge3A = arith.constant 1 : i32
        %ge3A_218 = arith.cmpi sge, %add3A_144, %ge3A : i32
        %convert_element_type3A_219 = arith.extui %ge3A_218 : i1 to i32
        %cond3A_220 = arith.constant 0 : i32
        %cond3A_221 = arith.cmpi ne, %convert_element_type3A_219, %cond3A_220 : i32
        scf.if %cond3A_221 {
          %dma_wait3A_273 = arith.constant 0 : i32
          %dma_wait3A_274 = arith.constant 0 : i32
          %dma_wait3A_275 = tpu.memref_slice %arg5[%mul3A_2, %dma_wait3A_273, %dma_wait3A_274] : memref<4096x200x64xf32, #tpu.memory_space<hbm>> -> memref<2x200x64xf32, #tpu.memory_space<hbm>>
          %dma_wait3A_276 = arith.constant 0 : i32
          %dma_wait3A_277 = arith.constant 0 : i32
          %dma_wait3A_278 = tpu.memref_slice %arg5[%mul3A_2, %dma_wait3A_276, %dma_wait3A_277] : memref<4096x200x64xf32, #tpu.memory_space<hbm>> -> memref<2x200x64xf32, #tpu.memory_space<hbm>>
          tpu.wait_dma2 semaphore(%arg12 : memref<!tpu.dma_semaphore, #tpu.memory_space<semaphore_mem>>) src(%arg7 : memref<2x200x64xf32, #tpu.memory_space<vmem>>) dst(%dma_wait3A_278 : memref<2x200x64xf32, #tpu.memory_space<hbm>>)
        } else {
        }
        %mul3A_222 = arith.constant 2 : i32
        %mul3A_223 = arith.muli %add3A_146, %mul3A_222 : i32
        %add3A_224 = arith.addi %mul3A_2, %mul3A_223 : i32
        "tpu.region"() ({
          %run_scoped3A = tpu.sem_alloc : memref<!tpu.dma_semaphore, #tpu.memory_space<semaphore_mem>>
          %dma_start3A_273 = arith.constant 0 : i32
          %dma_start3A_274 = arith.constant 0 : i32
          %dma_start3A_275 = tpu.memref_slice %arg6[%dma_start3A_273, %dma_start3A_274] : memref<4x200xi32, #tpu.memory_space<vmem>> -> memref<2x200xi32, #tpu.memory_space<vmem>>
          %dma_start3A_276 = arith.constant 0 : i32
          %dma_start3A_277 = tpu.memref_slice %arg2[%add3A_224, %dma_start3A_276] : memref<4096x200xi32, #tpu.memory_space<hbm>> -> memref<2x200xi32, #tpu.memory_space<hbm>>
          %dma_start3A_278 = arith.constant 0 : i32
          %dma_start3A_279 = arith.constant 0 : i32
          %dma_start3A_280 = tpu.memref_slice %arg6[%dma_start3A_278, %dma_start3A_279] : memref<4x200xi32, #tpu.memory_space<vmem>> -> memref<2x200xi32, #tpu.memory_space<vmem>>
          %dma_start3A_281 = arith.constant 0 : i32
          %dma_start3A_282 = tpu.memref_slice %arg2[%add3A_224, %dma_start3A_281] : memref<4096x200xi32, #tpu.memory_space<hbm>> -> memref<2x200xi32, #tpu.memory_space<hbm>>
          tpu.enqueue_dma source(%dma_start3A_282 : memref<2x200xi32, #tpu.memory_space<hbm>>) target(%dma_start3A_280 : memref<2x200xi32, #tpu.memory_space<vmem>>) target_semaphore(%run_scoped3A : memref<!tpu.dma_semaphore, #tpu.memory_space<semaphore_mem>>)
          %dma_wait3A_283 = arith.constant 0 : i32
          %dma_wait3A_284 = arith.constant 0 : i32
          %dma_wait3A_285 = tpu.memref_slice %arg6[%dma_wait3A_283, %dma_wait3A_284] : memref<4x200xi32, #tpu.memory_space<vmem>> -> memref<2x200xi32, #tpu.memory_space<vmem>>
          %dma_wait3A_286 = arith.constant 0 : i32
          %dma_wait3A_287 = tpu.memref_slice %arg2[%add3A_224, %dma_wait3A_286] : memref<4096x200xi32, #tpu.memory_space<hbm>> -> memref<2x200xi32, #tpu.memory_space<hbm>>
          %dma_wait3A_288 = arith.constant 0 : i32
          %dma_wait3A_289 = arith.constant 0 : i32
          %dma_wait3A_290 = tpu.memref_slice %arg6[%dma_wait3A_288, %dma_wait3A_289] : memref<4x200xi32, #tpu.memory_space<vmem>> -> memref<2x200xi32, #tpu.memory_space<vmem>>
          %dma_wait3A_291 = arith.constant 0 : i32
          %dma_wait3A_292 = tpu.memref_slice %arg2[%add3A_224, %dma_wait3A_291] : memref<4096x200xi32, #tpu.memory_space<hbm>> -> memref<2x200xi32, #tpu.memory_space<hbm>>
          tpu.wait_dma2 semaphore(%run_scoped3A : memref<!tpu.dma_semaphore, #tpu.memory_space<semaphore_mem>>) src(%dma_wait3A_292 : memref<2x200xi32, #tpu.memory_space<hbm>>) dst(%dma_wait3A_290 : memref<2x200xi32, #tpu.memory_space<vmem>>)
          tpu.yield
        }) : () -> ()
        %dma_start3A_225 = arith.constant 0 : i32
        %dma_start3A_226 = arith.constant 0 : i32
        %dma_start3A_227 = arith.constant 0 : i32
        %dma_start3A_228 = arith.constant 0 : i32
        %dma_start3A_229 = tpu.memref_slice %arg7[%dma_start3A_226, %dma_start3A_227, %dma_start3A_228] : memref<2x200x64xf32, #tpu.memory_space<vmem>> -> memref<1x96x64xf32, #tpu.memory_space<vmem>>
        %dma_start3A_230 = tpu.memref_squeeze %dma_start3A_229 : memref<1x96x64xf32, #tpu.memory_space<vmem>> -> memref<96x64xf32, #tpu.memory_space<vmem>>
        %dma_start3A_231 = arith.constant 0 : i32
        %dma_start3A_232 = tpu.memref_slice %arg6[%dma_start3A_225, %dma_start3A_231] : memref<4x200xi32, #tpu.memory_space<vmem>> -> memref<1x96xi32, #tpu.memory_space<vmem>>
        %dma_start3A_233 = tpu.memref_squeeze %dma_start3A_232 : memref<1x96xi32, #tpu.memory_space<vmem>> -> memref<96xi32, #tpu.memory_space<vmem>>
        %dma_start3A_234 = arith.constant 0 : i32
        %dma_start3A_235 = arith.constant 0 : i32
        %dma_start3A_236 = tpu.memref_slice %arg3[%dma_start3A_234, %dma_start3A_235] : memref<1000000x64xf32, #tpu.memory_space<hbm>> -> memref<1000000x64xf32, #tpu.memory_space<hbm>>
        tpu.enqueue_indirect_dma source(%dma_start3A_236 : memref<1000000x64xf32, #tpu.memory_space<hbm>>) target(%dma_start3A_230 : memref<96x64xf32, #tpu.memory_space<vmem>>) offsets(%dma_start3A_233 : memref<96xi32, #tpu.memory_space<vmem>>) semaphore(%arg10 : memref<!tpu.dma_semaphore, #tpu.memory_space<semaphore_mem>>)
        %dma_start3A_237 = arith.constant 0 : i32
        %dma_start3A_238 = arith.constant 0 : i32
        %dma_start3A_239 = arith.constant 96 : i32
        %dma_start3A_240 = arith.constant 0 : i32
        %dma_start3A_241 = tpu.memref_slice %arg7[%dma_start3A_238, %dma_start3A_239, %dma_start3A_240] : memref<2x200x64xf32, #tpu.memory_space<vmem>> -> memref<1x104x64xf32, #tpu.memory_space<vmem>>
        %dma_start3A_242 = tpu.memref_squeeze %dma_start3A_241 : memref<1x104x64xf32, #tpu.memory_space<vmem>> -> memref<104x64xf32, #tpu.memory_space<vmem>>
        %dma_start3A_243 = arith.constant 96 : i32
        %dma_start3A_244 = tpu.memref_slice %arg6[%dma_start3A_237, %dma_start3A_243] : memref<4x200xi32, #tpu.memory_space<vmem>> -> memref<1x104xi32, #tpu.memory_space<vmem>>
        %dma_start3A_245 = tpu.memref_squeeze %dma_start3A_244 : memref<1x104xi32, #tpu.memory_space<vmem>> -> memref<104xi32, #tpu.memory_space<vmem>>
        %dma_start3A_246 = arith.constant 0 : i32
        %dma_start3A_247 = arith.constant 0 : i32
        %dma_start3A_248 = tpu.memref_slice %arg3[%dma_start3A_246, %dma_start3A_247] : memref<1000000x64xf32, #tpu.memory_space<hbm>> -> memref<1000000x64xf32, #tpu.memory_space<hbm>>
        tpu.enqueue_indirect_dma source(%dma_start3A_248 : memref<1000000x64xf32, #tpu.memory_space<hbm>>) target(%dma_start3A_242 : memref<104x64xf32, #tpu.memory_space<vmem>>) offsets(%dma_start3A_245 : memref<104xi32, #tpu.memory_space<vmem>>) semaphore(%arg10 : memref<!tpu.dma_semaphore, #tpu.memory_space<semaphore_mem>>)
        %dma_start3A_249 = arith.constant 1 : i32
        %dma_start3A_250 = arith.constant 1 : i32
        %dma_start3A_251 = arith.constant 0 : i32
        %dma_start3A_252 = arith.constant 0 : i32
        %dma_start3A_253 = tpu.memref_slice %arg7[%dma_start3A_250, %dma_start3A_251, %dma_start3A_252] : memref<2x200x64xf32, #tpu.memory_space<vmem>> -> memref<1x96x64xf32, #tpu.memory_space<vmem>>
        %dma_start3A_254 = tpu.memref_squeeze %dma_start3A_253 : memref<1x96x64xf32, #tpu.memory_space<vmem>> -> memref<96x64xf32, #tpu.memory_space<vmem>>
        %dma_start3A_255 = arith.constant 0 : i32
        %dma_start3A_256 = tpu.memref_slice %arg6[%dma_start3A_249, %dma_start3A_255] : memref<4x200xi32, #tpu.memory_space<vmem>> -> memref<1x96xi32, #tpu.memory_space<vmem>>
        %dma_start3A_257 = tpu.memref_squeeze %dma_start3A_256 : memref<1x96xi32, #tpu.memory_space<vmem>> -> memref<96xi32, #tpu.memory_space<vmem>>
        %dma_start3A_258 = arith.constant 0 : i32
        %dma_start3A_259 = arith.constant 0 : i32
        %dma_start3A_260 = tpu.memref_slice %arg3[%dma_start3A_258, %dma_start3A_259] : memref<1000000x64xf32, #tpu.memory_space<hbm>> -> memref<1000000x64xf32, #tpu.memory_space<hbm>>
        tpu.enqueue_indirect_dma source(%dma_start3A_260 : memref<1000000x64xf32, #tpu.memory_space<hbm>>) target(%dma_start3A_254 : memref<96x64xf32, #tpu.memory_space<vmem>>) offsets(%dma_start3A_257 : memref<96xi32, #tpu.memory_space<vmem>>) semaphore(%arg10 : memref<!tpu.dma_semaphore, #tpu.memory_space<semaphore_mem>>)
        %dma_start3A_261 = arith.constant 1 : i32
        %dma_start3A_262 = arith.constant 1 : i32
        %dma_start3A_263 = arith.constant 96 : i32
        %dma_start3A_264 = arith.constant 0 : i32
        %dma_start3A_265 = tpu.memref_slice %arg7[%dma_start3A_262, %dma_start3A_263, %dma_start3A_264] : memref<2x200x64xf32, #tpu.memory_space<vmem>> -> memref<1x104x64xf32, #tpu.memory_space<vmem>>
        %dma_start3A_266 = tpu.memref_squeeze %dma_start3A_265 : memref<1x104x64xf32, #tpu.memory_space<vmem>> -> memref<104x64xf32, #tpu.memory_space<vmem>>
        %dma_start3A_267 = arith.constant 96 : i32
        %dma_start3A_268 = tpu.memref_slice %arg6[%dma_start3A_261, %dma_start3A_267] : memref<4x200xi32, #tpu.memory_space<vmem>> -> memref<1x104xi32, #tpu.memory_space<vmem>>
        %dma_start3A_269 = tpu.memref_squeeze %dma_start3A_268 : memref<1x104xi32, #tpu.memory_space<vmem>> -> memref<104xi32, #tpu.memory_space<vmem>>
        %dma_start3A_270 = arith.constant 0 : i32
        %dma_start3A_271 = arith.constant 0 : i32
        %dma_start3A_272 = tpu.memref_slice %arg3[%dma_start3A_270, %dma_start3A_271] : memref<1000000x64xf32, #tpu.memory_space<hbm>> -> memref<1000000x64xf32, #tpu.memory_space<hbm>>
        tpu.enqueue_indirect_dma source(%dma_start3A_272 : memref<1000000x64xf32, #tpu.memory_space<hbm>>) target(%dma_start3A_266 : memref<104x64xf32, #tpu.memory_space<vmem>>) offsets(%dma_start3A_269 : memref<104xi32, #tpu.memory_space<vmem>>) semaphore(%arg10 : memref<!tpu.dma_semaphore, #tpu.memory_space<semaphore_mem>>)
      } else {
      }
      %mul3A_152 = arith.constant 2 : i32
      %mul3A_153 = arith.muli %add3A_144, %mul3A_152 : i32
      %add3A_154 = arith.addi %mul3A_2, %mul3A_153 : i32
      %dma_wait3A_155 = arith.constant 2 : i32
      %dma_wait3A_156 = arith.constant 0 : i32
      %dma_wait3A_157 = arith.constant 0 : i32
      %dma_wait3A_158 = arith.constant 0 : i32
      %dma_wait3A_159 = tpu.memref_slice %arg8[%dma_wait3A_156, %dma_wait3A_157, %dma_wait3A_158] : memref<2x200x64xf32, #tpu.memory_space<vmem>> -> memref<1x96x64xf32, #tpu.memory_space<vmem>>
      %dma_wait3A_160 = tpu.memref_squeeze %dma_wait3A_159 : memref<1x96x64xf32, #tpu.memory_space<vmem>> -> memref<96x64xf32, #tpu.memory_space<vmem>>
      %dma_wait3A_161 = arith.constant 0 : i32
      %dma_wait3A_162 = tpu.memref_slice %arg6[%dma_wait3A_155, %dma_wait3A_161] : memref<4x200xi32, #tpu.memory_space<vmem>> -> memref<1x96xi32, #tpu.memory_space<vmem>>
      %dma_wait3A_163 = tpu.memref_squeeze %dma_wait3A_162 : memref<1x96xi32, #tpu.memory_space<vmem>> -> memref<96xi32, #tpu.memory_space<vmem>>
      %dma_wait3A_164 = arith.constant 0 : i32
      %dma_wait3A_165 = arith.constant 0 : i32
      %dma_wait3A_166 = tpu.memref_slice %arg3[%dma_wait3A_164, %dma_wait3A_165] : memref<1000000x64xf32, #tpu.memory_space<hbm>> -> memref<1000000x64xf32, #tpu.memory_space<hbm>>
      tpu.wait_indirect_dma semaphore(%arg11 : memref<!tpu.dma_semaphore, #tpu.memory_space<semaphore_mem>>) src(%dma_wait3A_166 : memref<1000000x64xf32, #tpu.memory_space<hbm>>) dst(%dma_wait3A_160 : memref<96x64xf32, #tpu.memory_space<vmem>>)
      %dma_wait3A_167 = arith.constant 2 : i32
      %dma_wait3A_168 = arith.constant 0 : i32
      %dma_wait3A_169 = arith.constant 96 : i32
      %dma_wait3A_170 = arith.constant 0 : i32
      %dma_wait3A_171 = tpu.memref_slice %arg8[%dma_wait3A_168, %dma_wait3A_169, %dma_wait3A_170] : memref<2x200x64xf32, #tpu.memory_space<vmem>> -> memref<1x104x64xf32, #tpu.memory_space<vmem>>
      %dma_wait3A_172 = tpu.memref_squeeze %dma_wait3A_171 : memref<1x104x64xf32, #tpu.memory_space<vmem>> -> memref<104x64xf32, #tpu.memory_space<vmem>>
      %dma_wait3A_173 = arith.constant 96 : i32
      %dma_wait3A_174 = tpu.memref_slice %arg6[%dma_wait3A_167, %dma_wait3A_173] : memref<4x200xi32, #tpu.memory_space<vmem>> -> memref<1x104xi32, #tpu.memory_space<vmem>>
      %dma_wait3A_175 = tpu.memref_squeeze %dma_wait3A_174 : memref<1x104xi32, #tpu.memory_space<vmem>> -> memref<104xi32, #tpu.memory_space<vmem>>
      %dma_wait3A_176 = arith.constant 0 : i32
      %dma_wait3A_177 = arith.constant 0 : i32
      %dma_wait3A_178 = tpu.memref_slice %arg3[%dma_wait3A_176, %dma_wait3A_177] : memref<1000000x64xf32, #tpu.memory_space<hbm>> -> memref<1000000x64xf32, #tpu.memory_space<hbm>>
      tpu.wait_indirect_dma semaphore(%arg11 : memref<!tpu.dma_semaphore, #tpu.memory_space<semaphore_mem>>) src(%dma_wait3A_178 : memref<1000000x64xf32, #tpu.memory_space<hbm>>) dst(%dma_wait3A_172 : memref<104x64xf32, #tpu.memory_space<vmem>>)
      %dma_wait3A_179 = arith.constant 3 : i32
      %dma_wait3A_180 = arith.constant 1 : i32
      %dma_wait3A_181 = arith.constant 0 : i32
      %dma_wait3A_182 = arith.constant 0 : i32
      %dma_wait3A_183 = tpu.memref_slice %arg8[%dma_wait3A_180, %dma_wait3A_181, %dma_wait3A_182] : memref<2x200x64xf32, #tpu.memory_space<vmem>> -> memref<1x96x64xf32, #tpu.memory_space<vmem>>
      %dma_wait3A_184 = tpu.memref_squeeze %dma_wait3A_183 : memref<1x96x64xf32, #tpu.memory_space<vmem>> -> memref<96x64xf32, #tpu.memory_space<vmem>>
      %dma_wait3A_185 = arith.constant 0 : i32
      %dma_wait3A_186 = tpu.memref_slice %arg6[%dma_wait3A_179, %dma_wait3A_185] : memref<4x200xi32, #tpu.memory_space<vmem>> -> memref<1x96xi32, #tpu.memory_space<vmem>>
      %dma_wait3A_187 = tpu.memref_squeeze %dma_wait3A_186 : memref<1x96xi32, #tpu.memory_space<vmem>> -> memref<96xi32, #tpu.memory_space<vmem>>
      %dma_wait3A_188 = arith.constant 0 : i32
      %dma_wait3A_189 = arith.constant 0 : i32
      %dma_wait3A_190 = tpu.memref_slice %arg3[%dma_wait3A_188, %dma_wait3A_189] : memref<1000000x64xf32, #tpu.memory_space<hbm>> -> memref<1000000x64xf32, #tpu.memory_space<hbm>>
      tpu.wait_indirect_dma semaphore(%arg11 : memref<!tpu.dma_semaphore, #tpu.memory_space<semaphore_mem>>) src(%dma_wait3A_190 : memref<1000000x64xf32, #tpu.memory_space<hbm>>) dst(%dma_wait3A_184 : memref<96x64xf32, #tpu.memory_space<vmem>>)
      %dma_wait3A_191 = arith.constant 3 : i32
      %dma_wait3A_192 = arith.constant 1 : i32
      %dma_wait3A_193 = arith.constant 96 : i32
      %dma_wait3A_194 = arith.constant 0 : i32
      %dma_wait3A_195 = tpu.memref_slice %arg8[%dma_wait3A_192, %dma_wait3A_193, %dma_wait3A_194] : memref<2x200x64xf32, #tpu.memory_space<vmem>> -> memref<1x104x64xf32, #tpu.memory_space<vmem>>
      %dma_wait3A_196 = tpu.memref_squeeze %dma_wait3A_195 : memref<1x104x64xf32, #tpu.memory_space<vmem>> -> memref<104x64xf32, #tpu.memory_space<vmem>>
      %dma_wait3A_197 = arith.constant 96 : i32
      %dma_wait3A_198 = tpu.memref_slice %arg6[%dma_wait3A_191, %dma_wait3A_197] : memref<4x200xi32, #tpu.memory_space<vmem>> -> memref<1x104xi32, #tpu.memory_space<vmem>>
      %dma_wait3A_199 = tpu.memref_squeeze %dma_wait3A_198 : memref<1x104xi32, #tpu.memory_space<vmem>> -> memref<104xi32, #tpu.memory_space<vmem>>
      %dma_wait3A_200 = arith.constant 0 : i32
      %dma_wait3A_201 = arith.constant 0 : i32
      %dma_wait3A_202 = tpu.memref_slice %arg3[%dma_wait3A_200, %dma_wait3A_201] : memref<1000000x64xf32, #tpu.memory_space<hbm>> -> memref<1000000x64xf32, #tpu.memory_space<hbm>>
      tpu.wait_indirect_dma semaphore(%arg11 : memref<!tpu.dma_semaphore, #tpu.memory_space<semaphore_mem>>) src(%dma_wait3A_202 : memref<1000000x64xf32, #tpu.memory_space<hbm>>) dst(%dma_wait3A_196 : memref<104x64xf32, #tpu.memory_space<vmem>>)
      %scan3A_203 = arith.constant 0 : i32
      %scan3A_204 = arith.constant 0 : i32
      %scan3A_205 = arith.constant 200 : i32
      %scan3A_206 = arith.addi %scan3A_204, %scan3A_205 : i32
      %scan3A_207 = arith.constant 1 : i32
      scf.for %scan3A_218 = %scan3A_204 to %scan3A_206 step %scan3A_207  : i32 {
        %get3A = arith.index_cast %scan3A_218 : i32 to index
        %get3A_219 = arith.constant 0 : index
        %get3A_220 = tpu.vector_load %arg9[%get3A, %get3A_219] {strides = array<i32>} : memref<200x64xf32, #tpu.memory_space<vmem>>, vector<1x16xf32>,
        %get3A_221 = vector.shape_cast %get3A_220 : vector<1x16xf32> to vector<16xf32>
        %get3A_222 = arith.constant 0 : i32
        %get3A_223 = arith.index_cast %get3A_222 : i32 to index
        %get3A_224 = arith.index_cast %scan3A_218 : i32 to index
        %get3A_225 = arith.constant 0 : index
        %get3A_226 = tpu.vector_load %arg8[%get3A_223, %get3A_224, %get3A_225] {strides = array<i32>} : memref<2x200x64xf32, #tpu.memory_space<vmem>>, vector<1x1x16xf32>,
        %get3A_227 = vector.shape_cast %get3A_226 : vector<1x1x16xf32> to vector<16xf32>
        %add3A_228 = arith.addf %get3A_227, %get3A_221 : vector<16xf32>
        %swap3A = arith.constant 0 : i32
        %swap3A_229 = arith.index_cast %swap3A : i32 to index
        %swap3A_230 = arith.index_cast %scan3A_218 : i32 to index
        %swap3A_231 = arith.constant 0 : index
        %swap3A_232 = tpu.vector_load %arg8[%swap3A_229, %swap3A_230, %swap3A_231] {strides = array<i32>} : memref<2x200x64xf32, #tpu.memory_space<vmem>>, vector<1x1x16xf32>,
        %swap3A_233 = vector.shape_cast %swap3A_232 : vector<1x1x16xf32> to vector<16xf32>
        %swap3A_234 = vector.shape_cast %add3A_228 : vector<16xf32> to vector<1x1x16xf32>
        tpu.vector_store %arg8[%swap3A_229, %swap3A_230, %swap3A_231], %swap3A_234 {strides = array<i32>} : memref<2x200x64xf32, #tpu.memory_space<vmem>>, vector<1x1x16xf32>,
        %get3A_235 = arith.constant 1 : i32
        %get3A_236 = arith.index_cast %get3A_235 : i32 to index
        %get3A_237 = arith.index_cast %scan3A_218 : i32 to index
        %get3A_238 = arith.constant 0 : index
        %get3A_239 = tpu.vector_load %arg8[%get3A_236, %get3A_237, %get3A_238] {strides = array<i32>} : memref<2x200x64xf32, #tpu.memory_space<vmem>>, vector<1x1x16xf32>,
        %get3A_240 = vector.shape_cast %get3A_239 : vector<1x1x16xf32> to vector<16xf32>
        %add3A_241 = arith.addf %get3A_240, %get3A_221 : vector<16xf32>
        %swap3A_242 = arith.constant 1 : i32
        %swap3A_243 = arith.index_cast %swap3A_242 : i32 to index
        %swap3A_244 = arith.index_cast %scan3A_218 : i32 to index
        %swap3A_245 = arith.constant 0 : index
        %swap3A_246 = tpu.vector_load %arg8[%swap3A_243, %swap3A_244, %swap3A_245] {strides = array<i32>} : memref<2x200x64xf32, #tpu.memory_space<vmem>>, vector<1x1x16xf32>,
        %swap3A_247 = vector.shape_cast %swap3A_246 : vector<1x1x16xf32> to vector<16xf32>
        %swap3A_248 = vector.shape_cast %add3A_241 : vector<16xf32> to vector<1x1x16xf32>
        tpu.vector_store %arg8[%swap3A_243, %swap3A_244, %swap3A_245], %swap3A_248 {strides = array<i32>} : memref<2x200x64xf32, #tpu.memory_space<vmem>>, vector<1x1x16xf32>,
        %get3A_249 = arith.index_cast %scan3A_218 : i32 to index
        %get3A_250 = arith.constant 16 : index
        %get3A_251 = tpu.vector_load %arg9[%get3A_249, %get3A_250] {strides = array<i32>} : memref<200x64xf32, #tpu.memory_space<vmem>>, vector<1x16xf32>,
        %get3A_252 = vector.shape_cast %get3A_251 : vector<1x16xf32> to vector<16xf32>
        %get3A_253 = arith.constant 0 : i32
        %get3A_254 = arith.index_cast %get3A_253 : i32 to index
        %get3A_255 = arith.index_cast %scan3A_218 : i32 to index
        %get3A_256 = arith.constant 16 : index
        %get3A_257 = tpu.vector_load %arg8[%get3A_254, %get3A_255, %get3A_256] {strides = array<i32>} : memref<2x200x64xf32, #tpu.memory_space<vmem>>, vector<1x1x16xf32>,
        %get3A_258 = vector.shape_cast %get3A_257 : vector<1x1x16xf32> to vector<16xf32>
        %add3A_259 = arith.addf %get3A_258, %get3A_252 : vector<16xf32>
        %swap3A_260 = arith.constant 0 : i32
        %swap3A_261 = arith.index_cast %swap3A_260 : i32 to index
        %swap3A_262 = arith.index_cast %scan3A_218 : i32 to index
        %swap3A_263 = arith.constant 16 : index
        %swap3A_264 = tpu.vector_load %arg8[%swap3A_261, %swap3A_262, %swap3A_263] {strides = array<i32>} : memref<2x200x64xf32, #tpu.memory_space<vmem>>, vector<1x1x16xf32>,
        %swap3A_265 = vector.shape_cast %swap3A_264 : vector<1x1x16xf32> to vector<16xf32>
        %swap3A_266 = vector.shape_cast %add3A_259 : vector<16xf32> to vector<1x1x16xf32>
        tpu.vector_store %arg8[%swap3A_261, %swap3A_262, %swap3A_263], %swap3A_266 {strides = array<i32>} : memref<2x200x64xf32, #tpu.memory_space<vmem>>, vector<1x1x16xf32>,
        %get3A_267 = arith.constant 1 : i32
        %get3A_268 = arith.index_cast %get3A_267 : i32 to index
        %get3A_269 = arith.index_cast %scan3A_218 : i32 to index
        %get3A_270 = arith.constant 16 : index
        %get3A_271 = tpu.vector_load %arg8[%get3A_268, %get3A_269, %get3A_270] {strides = array<i32>} : memref<2x200x64xf32, #tpu.memory_space<vmem>>, vector<1x1x16xf32>,
        %get3A_272 = vector.shape_cast %get3A_271 : vector<1x1x16xf32> to vector<16xf32>
        %add3A_273 = arith.addf %get3A_272, %get3A_252 : vector<16xf32>
        %swap3A_274 = arith.constant 1 : i32
        %swap3A_275 = arith.index_cast %swap3A_274 : i32 to index
        %swap3A_276 = arith.index_cast %scan3A_218 : i32 to index
        %swap3A_277 = arith.constant 16 : index
        %swap3A_278 = tpu.vector_load %arg8[%swap3A_275, %swap3A_276, %swap3A_277] {strides = array<i32>} : memref<2x200x64xf32, #tpu.memory_space<vmem>>, vector<1x1x16xf32>,
        %swap3A_279 = vector.shape_cast %swap3A_278 : vector<1x1x16xf32> to vector<16xf32>
        %swap3A_280 = vector.shape_cast %add3A_273 : vector<16xf32> to vector<1x1x16xf32>
        tpu.vector_store %arg8[%swap3A_275, %swap3A_276, %swap3A_277], %swap3A_280 {strides = array<i32>} : memref<2x200x64xf32, #tpu.memory_space<vmem>>, vector<1x1x16xf32>,
        %get3A_281 = arith.index_cast %scan3A_218 : i32 to index
        %get3A_282 = arith.constant 32 : index
        %get3A_283 = tpu.vector_load %arg9[%get3A_281, %get3A_282] {strides = array<i32>} : memref<200x64xf32, #tpu.memory_space<vmem>>, vector<1x16xf32>,
        %get3A_284 = vector.shape_cast %get3A_283 : vector<1x16xf32> to vector<16xf32>
        %get3A_285 = arith.constant 0 : i32
        %get3A_286 = arith.index_cast %get3A_285 : i32 to index
        %get3A_287 = arith.index_cast %scan3A_218 : i32 to index
        %get3A_288 = arith.constant 32 : index
        %get3A_289 = tpu.vector_load %arg8[%get3A_286, %get3A_287, %get3A_288] {strides = array<i32>} : memref<2x200x64xf32, #tpu.memory_space<vmem>>, vector<1x1x16xf32>,
        %get3A_290 = vector.shape_cast %get3A_289 : vector<1x1x16xf32> to vector<16xf32>
        %add3A_291 = arith.addf %get3A_290, %get3A_284 : vector<16xf32>
        %swap3A_292 = arith.constant 0 : i32
        %swap3A_293 = arith.index_cast %swap3A_292 : i32 to index
        %swap3A_294 = arith.index_cast %scan3A_218 : i32 to index
        %swap3A_295 = arith.constant 32 : index
        %swap3A_296 = tpu.vector_load %arg8[%swap3A_293, %swap3A_294, %swap3A_295] {strides = array<i32>} : memref<2x200x64xf32, #tpu.memory_space<vmem>>, vector<1x1x16xf32>,
        %swap3A_297 = vector.shape_cast %swap3A_296 : vector<1x1x16xf32> to vector<16xf32>
        %swap3A_298 = vector.shape_cast %add3A_291 : vector<16xf32> to vector<1x1x16xf32>
        tpu.vector_store %arg8[%swap3A_293, %swap3A_294, %swap3A_295], %swap3A_298 {strides = array<i32>} : memref<2x200x64xf32, #tpu.memory_space<vmem>>, vector<1x1x16xf32>,
        %get3A_299 = arith.constant 1 : i32
        %get3A_300 = arith.index_cast %get3A_299 : i32 to index
        %get3A_301 = arith.index_cast %scan3A_218 : i32 to index
        %get3A_302 = arith.constant 32 : index
        %get3A_303 = tpu.vector_load %arg8[%get3A_300, %get3A_301, %get3A_302] {strides = array<i32>} : memref<2x200x64xf32, #tpu.memory_space<vmem>>, vector<1x1x16xf32>,
        %get3A_304 = vector.shape_cast %get3A_303 : vector<1x1x16xf32> to vector<16xf32>
        %add3A_305 = arith.addf %get3A_304, %get3A_284 : vector<16xf32>
        %swap3A_306 = arith.constant 1 : i32
        %swap3A_307 = arith.index_cast %swap3A_306 : i32 to index
        %swap3A_308 = arith.index_cast %scan3A_218 : i32 to index
        %swap3A_309 = arith.constant 32 : index
        %swap3A_310 = tpu.vector_load %arg8[%swap3A_307, %swap3A_308, %swap3A_309] {strides = array<i32>} : memref<2x200x64xf32, #tpu.memory_space<vmem>>, vector<1x1x16xf32>,
        %swap3A_311 = vector.shape_cast %swap3A_310 : vector<1x1x16xf32> to vector<16xf32>
        %swap3A_312 = vector.shape_cast %add3A_305 : vector<16xf32> to vector<1x1x16xf32>
        tpu.vector_store %arg8[%swap3A_307, %swap3A_308, %swap3A_309], %swap3A_312 {strides = array<i32>} : memref<2x200x64xf32, #tpu.memory_space<vmem>>, vector<1x1x16xf32>,
        %get3A_313 = arith.index_cast %scan3A_218 : i32 to index
        %get3A_314 = arith.constant 48 : index
        %get3A_315 = tpu.vector_load %arg9[%get3A_313, %get3A_314] {strides = array<i32>} : memref<200x64xf32, #tpu.memory_space<vmem>>, vector<1x16xf32>,
        %get3A_316 = vector.shape_cast %get3A_315 : vector<1x16xf32> to vector<16xf32>
        %get3A_317 = arith.constant 0 : i32
        %get3A_318 = arith.index_cast %get3A_317 : i32 to index
        %get3A_319 = arith.index_cast %scan3A_218 : i32 to index
        %get3A_320 = arith.constant 48 : index
        %get3A_321 = tpu.vector_load %arg8[%get3A_318, %get3A_319, %get3A_320] {strides = array<i32>} : memref<2x200x64xf32, #tpu.memory_space<vmem>>, vector<1x1x16xf32>,
        %get3A_322 = vector.shape_cast %get3A_321 : vector<1x1x16xf32> to vector<16xf32>
        %add3A_323 = arith.addf %get3A_322, %get3A_316 : vector<16xf32>
        %swap3A_324 = arith.constant 0 : i32
        %swap3A_325 = arith.index_cast %swap3A_324 : i32 to index
        %swap3A_326 = arith.index_cast %scan3A_218 : i32 to index
        %swap3A_327 = arith.constant 48 : index
        %swap3A_328 = tpu.vector_load %arg8[%swap3A_325, %swap3A_326, %swap3A_327] {strides = array<i32>} : memref<2x200x64xf32, #tpu.memory_space<vmem>>, vector<1x1x16xf32>,
        %swap3A_329 = vector.shape_cast %swap3A_328 : vector<1x1x16xf32> to vector<16xf32>
        %swap3A_330 = vector.shape_cast %add3A_323 : vector<16xf32> to vector<1x1x16xf32>
        tpu.vector_store %arg8[%swap3A_325, %swap3A_326, %swap3A_327], %swap3A_330 {strides = array<i32>} : memref<2x200x64xf32, #tpu.memory_space<vmem>>, vector<1x1x16xf32>,
        %get3A_331 = arith.constant 1 : i32
        %get3A_332 = arith.index_cast %get3A_331 : i32 to index
        %get3A_333 = arith.index_cast %scan3A_218 : i32 to index
        %get3A_334 = arith.constant 48 : index
        %get3A_335 = tpu.vector_load %arg8[%get3A_332, %get3A_333, %get3A_334] {strides = array<i32>} : memref<2x200x64xf32, #tpu.memory_space<vmem>>, vector<1x1x16xf32>,
        %get3A_336 = vector.shape_cast %get3A_335 : vector<1x1x16xf32> to vector<16xf32>
        %add3A_337 = arith.addf %get3A_336, %get3A_316 : vector<16xf32>
        %swap3A_338 = arith.constant 1 : i32
        %swap3A_339 = arith.index_cast %swap3A_338 : i32 to index
        %swap3A_340 = arith.index_cast %scan3A_218 : i32 to index
        %swap3A_341 = arith.constant 48 : index
        %swap3A_342 = tpu.vector_load %arg8[%swap3A_339, %swap3A_340, %swap3A_341] {strides = array<i32>} : memref<2x200x64xf32, #tpu.memory_space<vmem>>, vector<1x1x16xf32>,
        %swap3A_343 = vector.shape_cast %swap3A_342 : vector<1x1x16xf32> to vector<16xf32>
        %swap3A_344 = vector.shape_cast %add3A_337 : vector<16xf32> to vector<1x1x16xf32>
        tpu.vector_store %arg8[%swap3A_339, %swap3A_340, %swap3A_341], %swap3A_344 {strides = array<i32>} : memref<2x200x64xf32, #tpu.memory_space<vmem>>, vector<1x1x16xf32>,
      }
      %scan3A_208 = arith.constant 200 : i32
      %mul3A_209 = arith.constant 2 : i32
      %mul3A_210 = arith.muli %add3A_144, %mul3A_209 : i32
      %add3A_211 = arith.addi %mul3A_2, %mul3A_210 : i32
      %dma_start3A_212 = arith.constant 0 : i32
      %dma_start3A_213 = arith.constant 0 : i32
      %dma_start3A_214 = tpu.memref_slice %arg5[%add3A_211, %dma_start3A_212, %dma_start3A_213] : memref<4096x200x64xf32, #tpu.memory_space<hbm>> -> memref<2x200x64xf32, #tpu.memory_space<hbm>>
      %dma_start3A_215 = arith.constant 0 : i32
      %dma_start3A_216 = arith.constant 0 : i32
      %dma_start3A_217 = tpu.memref_slice %arg5[%add3A_211, %dma_start3A_215, %dma_start3A_216] : memref<4096x200x64xf32, #tpu.memory_space<hbm>> -> memref<2x200x64xf32, #tpu.memory_space<hbm>>
      tpu.enqueue_dma source(%arg8 : memref<2x200x64xf32, #tpu.memory_space<vmem>>) target(%dma_start3A_217 : memref<2x200x64xf32, #tpu.memory_space<hbm>>) target_semaphore(%arg13 : memref<!tpu.dma_semaphore, #tpu.memory_space<semaphore_mem>>)
    }
    %scan3A_56 = arith.constant 32 : i32
    %dma_wait3A = arith.constant 0 : i32
    %dma_wait3A_57 = arith.constant 0 : i32
    %dma_wait3A_58 = tpu.memref_slice %arg5[%mul3A_2, %dma_wait3A, %dma_wait3A_57] : memref<4096x200x64xf32, #tpu.memory_space<hbm>> -> memref<2x200x64xf32, #tpu.memory_space<hbm>>
    %dma_wait3A_59 = arith.constant 0 : i32
    %dma_wait3A_60 = arith.constant 0 : i32
    %dma_wait3A_61 = tpu.memref_slice %arg5[%mul3A_2, %dma_wait3A_59, %dma_wait3A_60] : memref<4096x200x64xf32, #tpu.memory_space<hbm>> -> memref<2x200x64xf32, #tpu.memory_space<hbm>>
    tpu.wait_dma2 semaphore(%arg12 : memref<!tpu.dma_semaphore, #tpu.memory_space<semaphore_mem>>) src(%arg7 : memref<2x200x64xf32, #tpu.memory_space<vmem>>) dst(%dma_wait3A_61 : memref<2x200x64xf32, #tpu.memory_space<hbm>>)
    %dma_wait3A_62 = arith.constant 0 : i32
    %dma_wait3A_63 = arith.constant 0 : i32
    %dma_wait3A_64 = tpu.memref_slice %arg5[%mul3A_2, %dma_wait3A_62, %dma_wait3A_63] : memref<4096x200x64xf32, #tpu.memory_space<hbm>> -> memref<2x200x64xf32, #tpu.memory_space<hbm>>
    %dma_wait3A_65 = arith.constant 0 : i32
    %dma_wait3A_66 = arith.constant 0 : i32
    %dma_wait3A_67 = tpu.memref_slice %arg5[%mul3A_2, %dma_wait3A_65, %dma_wait3A_66] : memref<4096x200x64xf32, #tpu.memory_space<hbm>> -> memref<2x200x64xf32, #tpu.memory_space<hbm>>
    tpu.wait_dma2 semaphore(%arg13 : memref<!tpu.dma_semaphore, #tpu.memory_space<semaphore_mem>>) src(%arg8 : memref<2x200x64xf32, #tpu.memory_space<vmem>>) dst(%dma_wait3A_67 : memref<2x200x64xf32, #tpu.memory_space<hbm>>)
    return
  }
}

</mosaic_0001>

<sc_bundles>
// kernel: kernel.3.cloned.1.call-start
scs
__scs_entry_jumppad:
0x0: {  	(pc) =	sbr.rel $0x88, $3  }
0x1: {  	(tag) =	ssettag $0x0;
	lr =	simm.s32 $0x1  }
0x2: {  	[smem:$0x3F9E] =	sst lr;
	_ =	strace $0xD0000000  }
0x3: {  	_ = 	snop  }
0x4: {  	_ = 	snop  }
0x5: {  	_ = 	snop  }
0x6: {  	_ = 	snop  }
0x7: {  	_ = 	snop  }
__scs_overlays_trampoline_lowered:
0x8: {  	[smem:$0x3FAD] =	sst s0  }
0x9: {  	[smem:$0x3FAE] =	sst s1  }
0xa: {  	[smem:$0x3FAF] =	sst s2  }
0xb: {  	[smem:$0x3FB0] =	sst s3  }
0xc: {  	[smem:$0x3FB1] =	sst s4  }
0xd: {  	[smem:$0x3FB2] =	sst s5  }
0xe: {  	[smem:$0x3FB3] =	sst s6  }
0xf: {  	[smem:$0x3FB4] =	sst s7  }
0x10: {  	[smem:$0x3FB5] =	sst s8  }
0x11: {  	[smem:$0x3FB6] =	sst s9;
	s0 =	simm.s32 @!p0 $0x0  }
0x12: {  	s1 =	sld [smem:$0x3F9C];
	s0 =	simm.s32 @p0 $0x1  }
0x13: {  	[smem:$0x3FB7] =	sst s0;
	s0 =	simm.s32 @!p1 $0x0  }
0x14: {  	s2 =	sld [smem:$0x3F9B];
	s0 =	simm.s32 @p1 $0x1  }
0x15: {  	[smem:$0x3FB8] =	sst s0;
	s0 =	simm.s32 @!p2 $0x0  }
0x16: {  	s3 =	sld [smem:$0x3FDB];
	s0 =	simm.s32 @p2 $0x1  }
0x17: {  	s4 =	simm.s32 $0x1BF5;
	[smem:$0x3FBA] =	sst s0  }
0x18: {  	s0 =	sld [smem:$0x3F9D];
	_ =	swait.ge [sflag:s4], $0x0  }
0x19: {  	s7 =	sld [smem:$0x3F9E]  }
0x1a: {  	s8 =	sadd.s32 $0xFFFFE003, lr  }
0x1b: {  	s9 =	sadd.s32 $0xFFFFFEF7, lr;
	s5 =	simm.s32 $0xFFFFFFFF;
	p2 =	slt.u32 s8, $0xFFFFF086  }
0x1c: {  	p1 =	slt.u32 s9, $0xF7A;
	s5 =	simm.s32 @!p2 $0x0  }
0x1d: {  	s5 =	simm.s32 @p1 $0x1;
	p0 =	seq.s32 s7, s2  }
0x1e: {  	s7 =	smul.u32 @!p0 $0xF7A, s2;
	p2 =	seq.s32 @!p0 s5, $0x0  }
0x1f: {  	s9 =	smul.u32 $0xF7A, s1;
	s8 =	simm.s32 @!p0 $0x1BF5;
	p2 =	por !p2, p0  }
0x20: {  	[sflag:s8] =	ssyncset.s32 @!p0 $0xFFFFF086;
	s6 =	sadd.s32 @!p0 s3, s7;
	s7 =	simm.s32 @!p0 $0x108  }
0x21: {  	s3 =	sadd.s32 s3, s9;
	s6 =	sadd.s32 @!p0 $0x88, s6;
	s7 =	simm.s32 @p2 $0x1082  }
0x22: {  	[simem:s7], [sflag:s8] =	dma.local @!p0 [hbm:s6], $0xF7A  }
0x23: {  	s9 =	sor.u32 $0xD0000000, s2;
	s6 =	simm.s32 $0x108;
	_ =	swait.ge @!p0 [sflag:s8], $0x0  }
0x24: {  	s3 =	sadd.s32 $0x88, s3;
	s6 =	simm.s32 @!p1 $0x1082;
	[sflag:s4] =	ssyncset.s32 $0xFFFFF086  }
0x25: {  	[simem:s6], [sflag:s4] =	dma.local [hbm:s3], $0xF7A  }
0x26: {  	[smem:$0x3F9E] =	sst s1;
	(tag) =	ssettag s2;
	_ =	strace s9  }
0x27: {  	s1 =	sld [smem:$0x3FAE]  }
0x28: {  	s2 =	sld [smem:$0x3FAF]  }
0x29: {  	s4 =	sld [smem:$0x3FB1]  }
0x2a: {  	p0 =	seq.s32 s5, $0x0;
	s5 =	sld [smem:$0x3FB2]  }
0x2b: {  	s6 =	sld [smem:$0x3FB3]  }
0x2c: {  	s7 =	sld [smem:$0x3FB4]  }
0x2d: {  	s3 =	simm.s32 $0x108;
	s8 =	sld [smem:$0x3FB5]  }
0x2e: {  	s3 =	simm.s32 @!p0 $0x1082;
	s9 =	sld [smem:$0x3FB6]  }
0x2f: {  	lr =	sadd.s32 s0, s3;
	s0 =	sld [smem:$0x3FAD]  }
0x30: {  	s3 =	sld [smem:$0x3FB0]  }
0x31: {  	[smem:$0x3FB9] =	sst s10  }
0x32: {  	s10 =	sld [smem:$0x3FB7];
	_ =	sdelay $0x3  }
0x33: {  	p0 =	seq.s32 s10, $0x1;
	s10 =	sld [smem:$0x3FB9];
	_ =	sdelay $0x3  }
0x34: {  	[smem:$0x3FB9] =	sst s10  }
0x35: {  	s10 =	sld [smem:$0x3FB8];
	_ =	sdelay $0x3  }
0x36: {  	p1 =	seq.s32 s10, $0x1;
	s10 =	sld [smem:$0x3FB9];
	_ =	sdelay $0x3  }
0x37: {  	[smem:$0x3FB9] =	sst s10  }
0x38: {  	s10 =	sld [smem:$0x3FBA]  }
0x39: {  	_ = 	snop;
	(pc) =	sbr.ind lr, $3  }
0x3a: {  	_ = 	snop  }
0x3b: {  	_ = 	snop  }
0x3c: {  	p2 =	seq.s32 s10, $0x1;
	s10 =	sld [smem:$0x3FB9]  }
0x3d: {  	_ =	shalt  }
0x3e: {  	_ =	shalt  }
0x3f: {  	_ =	shalt  }
0x40: {  	_ =	shalt  }
0x41: {  	_ =	shalt  }
0x42: {  	_ =	shalt  }
0x43: {  	_ =	shalt  }
0x44: {  	_ =	shalt  }
0x45: {  	_ =	shalt  }
0x46: {  	_ =	shalt  }
0x47: {  	_ =	shalt  }
0x48: {  	_ =	shalt  }
0x49: {  	_ =	shalt  }
0x4a: {  	_ =	shalt  }
0x4b: {  	_ =	shalt  }
0x4c: {  	_ =	shalt  }
0x4d: {  	_ =	shalt  }
0x4e: {  	_ =	shalt  }
0x4f: {  	_ =	shalt  }
0x50: {  	_ =	shalt  }
0x51: {  	_ =	shalt  }
0x52: {  	_ =	shalt  }
0x53: {  	_ =	shalt  }
0x54: {  	_ =	shalt  }
0x55: {  	_ =	shalt  }
0x56: {  	_ =	shalt  }
0x57: {  	_ =	shalt  }
0x58: {  	_ =	shalt  }
0x59: {  	_ =	shalt  }
0x5a: {  	_ =	shalt  }
0x5b: {  	_ =	shalt  }
0x5c: {  	_ =	shalt  }
0x5d: {  	_ =	shalt  }
0x5e: {  	_ =	shalt  }
0x5f: {  	_ =	shalt  }
0x60: {  	_ =	shalt  }
0x61: {  	_ =	shalt  }
0x62: {  	_ =	shalt  }
0x63: {  	_ =	shalt  }
0x64: {  	_ =	shalt  }
0x65: {  	_ =	shalt  }
0x66: {  	_ =	shalt  }
0x67: {  	_ =	shalt  }
0x68: {  	_ =	shalt  }
0x69: {  	_ =	shalt  }
0x6a: {  	_ =	shalt  }
0x6b: {  	_ =	shalt  }
0x6c: {  	_ =	shalt  }
0x6d: {  	_ =	shalt  }
0x6e: {  	_ =	shalt  }
0x6f: {  	_ =	shalt  }
0x70: {  	_ =	shalt  }
0x71: {  	_ =	shalt  }
0x72: {  	_ =	shalt  }
0x73: {  	_ =	shalt  }
0x74: {  	_ =	shalt  }
0x75: {  	_ =	shalt  }
0x76: {  	_ =	shalt  }
0x77: {  	_ =	shalt  }
0x78: {  	_ =	shalt  }
0x79: {  	_ =	shalt  }
0x7a: {  	_ =	shalt  }
0x7b: {  	_ =	shalt  }
0x7c: {  	_ =	shalt  }
0x7d: {  	_ =	shalt  }
0x7e: {  	_ =	shalt  }
0x7f: {  	_ =	shalt  }
0x80: {  	_ =	shalt  }
0x81: {  	_ =	shalt  }
0x82: {  	_ =	shalt  }
0x83: {  	_ =	shalt  }
0x84: {  	_ =	shalt  }
0x85: {  	_ =	shalt  }
0x86: {  	_ =	shalt  }
0x87: {  	_ =	shalt  }
.Lfunc_end0:
.L_simem_size_0:
called_computation.1_lowered:
.L_overlay_start_0:
0x88: {  	s2 =	sld [smem:$0x3FD9]  }
0x89: {  	s3 =	sld [smem:$0x3FFE];
	_ =	sdelay $0x1  }
0x8a: {  	s1 =	srdreg.scid  }
0x8b: {  	s0 =	sand.u32 $0x1, s1  }
0x8c: {  	s17 =	sshll.u32 s0, $0xA;
	s2 =	sadd.s32 s3, s2  }
0x8d: {  	s2 =	sadd.s32 s2, s17  }
0x8e: {  	[smem:$0x3FC5] =	sst s2  }
0x8f: {  	_ = 	snop  }
0x90: {  	s2 =	sld [smem:$0x3FD0];
	(tm) =	ssettm $0x1  }
0x91: {  	s18 =	sld [smem:$0x3FFB];
	_ =	sdelay $0x3  }
0x92: {  	_ =	strace s18  }
0x93: {  	s3 =	sld [smem:$0x3FFC];
	_ =	sdelay $0x3  }
0x94: {  	_ =	strace s3  }
0x95: {  	s3 =	sld [smem:$0x3FFD];
	_ =	sdelay $0x3  }
0x96: {  	_ =	strace s3  }
0x97: {  	_ =	strace $0x8FFFFFFF  }
0x98: {  	s19 =	sld [smem:$0x3FDB];
	_ =	sdelay $0x1  }
0x99: {  	s4 =	simm.s32 $_scs_section_size  }
0x9a: {  	s5 =	simm.s32 $_size__tile_overlayer_lowered;
	s6 =	simm.s32 $_tile_overlayer_lowered  }
0x9b: {  	s22 =	simm.s32 $0x1BFF;
	s21 =	sshll.u32 s6, $0x1;
	s3 =	sadd.s32 s4, s19  }
0x9c: {  	s7 =	simm.s32 $0x0;
	s20 =	sshll.u32 s5, $0x1;
	s5 =	sadd.s32 s21, s3  }
0x9d: {  	[timem:s7], [sflag:s22] =	dma.local [hbm:s5], s20  }
0x9e: {  	_ =	swait.ge [sflag:s22], s20  }
0x9f: {  	s4 =	ssub.s32 $0x0, s20;
	[sflag:s22] =	ssyncset.done $0x0  }
0xa0: {  	[sflag:s22] =	ssyncadd.s32 s4;
	_ =	sdelay $0x1  }
0xa1: {  	s23 =	simm.s32 $0x1B8B  }
0xa2: {  	_ =	swait.ge [sflag:s23], $0x1  }
0xa3: {  	[sflag:s23] =	ssyncset.done $0x0  }
0xa4: {  	s25 =	simm.s32 $0x1B8E;
	s24 =	sld [smem:$0x3FFE];
	[sflag:s23] =	ssyncadd.s32 $0xFFFFFFFF  }
0xa5: {  	s26 =	simm.s32 $execute0_lowered;
	[smem:$0x3FD2] =	sst s25  }
0xa6: {  	s5 =	sshll.u32 s26, $0x1;
	_ =	strace $0x80000046;
	[dreg:$0x1] =	wrdreg $0xFFFFFFFF  }
0xa7: {  	s28 =	simm.s32 $_size_execute0_lowered;
	s3 =	sadd.s32 s3, s5;
	[dreg:$0x0] =	wrdreg $0x0  }
0xa8: {  	s5 =	sshll.u32 s28, $0x1;
	[dreg:$0x2] =	wrdreg s3  }
0xa9: {  	[dreg:$0x3] =	wrdreg s5  }
0xaa: {  	[dreg:$0x4] =	wrdreg $0xC0  }
0xab: {  	_ =	task [dreg:s7], $0x5FFFF  }
0xac: {  	[dreg:$0x1] =	wrdreg $0xFFFFFFFF  }
0xad: {  	[dreg:$0x0] =	wrdreg $0x60  }
0xae: {  	[dreg:$0x2] =	wrdreg s24  }
0xaf: {  	[dreg:$0x3] =	wrdreg s2  }
0xb0: {  	[dreg:$0x4] =	wrdreg $0x9  }
0xb1: {  	_ =	task.clear_ibuf [dreg:s7], $0x5FFFF;
	_ =	strace $0x90000046  }
0xb2: {  	s29 =	simm.s32 $0x9;
	_ =	strace $0x80000048  }
0xb3: {  	_ =	swait.ge [sflag:s29], $0x1  }
0xb4: {  	[sflag:s29] =	ssyncadd.s32 $0xFFFFFFFF  }
0xb5: {  	_ =	strace $0x90000048  }
0xb6: {  	_ =	sfence  }
0xb7: {  	s30 =	sld [smem:$0x0];
	_ =	sdelay $0x2  }
0xb8: {  	s31 =	sshll.u32 s1, $0xD;
	s1 =	sshrl.u32 s1, $0x2  }
0xb9: {  	s3 =	sand.u32 $0x4000, s31;
	s1 =	sadd.s32 s1, s30  }
0xba: {  	s0 =	sor.u32 s3, s0;
	s1 =	sshll.u32 s1, $0x11  }
0xbb: {  	s0 =	sor.u32 s1, s0  }
0xbc: {  	s0 =	sadd.s32 $0x8F2B, s0  }
0xbd: {  	[sflag:s0] =	ssyncadd.remote.s32 $0x1  }
0xbe: {  	_ =	sfence.sel $0xFFFF  }
0xbf: {  	[dreg:$0x0] =	wrdreg $0xFFFFFFFF;
	(pc) =	sbr.abs _section_cstart, $3  }
0xc0: {  	[dreg:$0x1] =	wrdreg $0xFFFFFFFF  }
0xc1: {  	_ =	task.clear_ibuf [dreg:s7], $0x2FFFF;
	_ =	strace $0x9FFFFFFF  }
0xc2: {  	(tm) =	ssettm $0x7FFFFFFF  }
0xc3: {  	_ =	shalt  }
tec
execute0_lowered:
.L_overlay_start_1:
0x0: {  	(tag) =	ssettag $0x1  }
0x1: {  	s0 =	rddreg [dreg:$0x0]  }
0x2: {  	s2 =	rddreg [dreg:$0x1]  }
0x3: {  	s1 =	srdreg.scid;
	s3 =	simm.s32 $0x0;
	s4 =	stileid.u32  }
0x4: {  	s13 =	simm.s32 $0x5;
	s14 =	simm.s32 $0x60;
	s15 =	simm.s32 $0x320  }
0x5: {  	s16 =	simm.s32 $0x68;
	s22 =	simm.s32 $0x190;
	s23 =	simm.s32 $0x6720  }
0x6: {  	s24 =	simm.s32 $0x1F0;
	s28 =	simm.s32 $0x9920;
	s29 =	simm.s32 $0x2B8  }
0x7: {  	s30 =	simm.s32 $0xB120;
	s31 =	simm.s32 $0x1;
	s12 =	simm.s32 $0x4  }
0x8: {  	s17 =	simm.s32 $0x0;
	s1 =	sand.u32 $0x1, s1;
	[smem:$0x7FF] =	sst s3  }
0x9: {  	s4 =	sshll.u32 s4, $0x8;
	s6 =	sadd.s32 $0xF43000, s0;
	s5 =	sshll.u32 s1, $0x7  }
0xa: {  	_ =	strace $0x80000047;
	s1 =	ssub.s32 $0x2, s1;
	s4 =	sor.u32 s5, s4  }
0xb: {  	s5 =	sadd.s32 $0xC00, s0;
	s7 =	sshrl.u32 s1, $0x1;
	s0 =	sadd.s32 $0x19C00, s0  }
0xc: {  	s8 =	smul.u32 $0x19, s4;
	[dreg:$0x3] =	wrdreg s0;
	s25 =	ssub.s32 s1, s7  }
0xd: {  	s9 =	sor.u32 $0x2, s4;
	s10 =	sor.u32 $0x4, s4;
	s0 =	simm.s32 $0x2  }
0xe: {  	s1 =	simm.s32 $0x3;
	s11 =	smax.u32 s25, $0x1;
	s26 =	sadd.s32 s5, s8  }
0xf: {  	s25 =	simm.s32 $0x7F20;
	[dreg:$0x4] =	wrdreg s26;
	s26 =	simm.s32 $0x258  }
.LBB2_1:
0x10: {  	s7 =	rddreg [dreg:$0x3];
	s8 =	simm.s32 $0xCB20  }
0x11: {  	[tilespmem:s8], [sflag:$0x5] =	stream.linear.gather [hbm4b:s7+s3], $0x3200, $0x38;
	[tilespmem:$0xFD20] =	vst v63  }
0x12: {  	_ =	swait.ge [sflag:s13], $0x3200  }
0x13: {  	[sflag:s13] =	ssyncset.done $0x0  }
0x14: {  	s21 =	rddreg [dreg:$0x4];
	[sflag:s13] =	ssyncadd.s32 $0xFFFFCE00  }
0x15: {  	[tilespmem:s3], [sflag:$0x5] =	stream.linear.gather [hbm4b:s21+s3], $0x190, $0x38;
	[tilespmem:$0xFD20] =	vst v63  }
0x16: {  	_ =	swait.ge [sflag:s13], $0x190  }
0x17: {  	[sflag:s13] =	ssyncset.done $0x0  }
0x18: {  	[sflag:s13] =	ssyncadd.s32 $0xFFFFFE70  }
0x19: {  	[tilespmem:s15], [sflag:$0x1] =	stream.indirect.gather [hbm4b:s6+s14], $0x40, s3, s14, $0xb8;
	[tilespmem:$0xFD20] =	vst v63  }
0x1a: {  	s8 =	simm.s32 $0x1B20  }
0x1b: {  	[tilespmem:s8], [sflag:$0x1] =	stream.indirect.gather [hbm4b:s6+s16], $0x40, s14, s16, $0xb8;
	[tilespmem:$0xFD20] =	vst v63  }
0x1c: {  	s18 =	simm.s32 $0xC8;
	s19 =	simm.s32 $0x3520  }
0x1d: {  	[tilespmem:s19], [sflag:$0x1] =	stream.indirect.gather [hbm4b:s6+s14], $0x40, s18, s14, $0xb8;
	[tilespmem:$0xFD20] =	vst v63  }
0x1e: {  	s20 =	simm.s32 $0x128;
	s21 =	simm.s32 $0x4D20;
	s18 =	simm.s32 $0x0  }
0x1f: {  	[tilespmem:s21], [sflag:$0x1] =	stream.indirect.gather [hbm4b:s6+s16], $0x40, s20, s16, $0xb8;
	[tilespmem:$0xFD20] =	vst v63  }
.LBB2_2:
0x20: {  	s20 =	sshll.u32 s18, $0x2;
	p0 =	seq.s32 s18, $0x0  }
0x21: {  	s7 =	simm.s32 @!p0 $0x4;
	s19 =	sadd.s32 s9, s20  }
0x22: {  	_ =	swait.ge @!p0 [sflag:s7], $0x6400;
	s21 =	smul.u32 $0x19, s19  }
0x23: {  	[sflag:s7] =	ssyncset.done @!p0 $0x0  }
0x24: {  	s8 =	simm.s32 $0x0;
	[sflag:s7] =	ssyncadd.s32 @!p0 $0xFFFF9C00;
	s21 =	sadd.s32 s5, s21  }
0x25: {  	[tilespmem:s22], [sflag:$0x5] =	stream.linear.gather [hbm4b:s21+s8], $0x190, $0x38;
	[tilespmem:$0xFD20] =	vst v63  }
0x26: {  	_ =	swait.ge [sflag:s13], $0x190  }
0x27: {  	[sflag:s13] =	ssyncset.done $0x0  }
0x28: {  	[sflag:s13] =	ssyncadd.s32 $0xFFFFFE70  }
0x29: {  	[tilespmem:s23], [sflag:$0x2] =	stream.indirect.gather [hbm4b:s6+s14], $0x40, s22, s14, $0xb8;
	[tilespmem:$0xFD20] =	vst v63  }
0x2a: {  	_ = 	snop  }
0x2b: {  	[tilespmem:s25], [sflag:$0x2] =	stream.indirect.gather [hbm4b:s6+s16], $0x40, s24, s16, $0xb8;
	[tilespmem:$0xFD20] =	vst v63  }
0x2c: {  	_ = 	snop  }
0x2d: {  	[tilespmem:s28], [sflag:$0x2] =	stream.indirect.gather [hbm4b:s6+s14], $0x40, s26, s14, $0xb8;
	[tilespmem:$0xFD20] =	vst v63  }
0x2e: {  	_ = 	snop  }
0x2f: {  	[tilespmem:s30], [sflag:$0x2] =	stream.indirect.gather [hbm4b:s6+s16], $0x40, s29, s16, $0xb8;
	[tilespmem:$0xFD20] =	vst v63  }
0x30: {  	_ =	swait.ge [sflag:s31], $0x1800  }
0x31: {  	[sflag:s31] =	ssyncset.done $0x0  }
0x32: {  	[sflag:s31] =	ssyncadd.s32 $0xFFFFE800  }
0x33: {  	_ =	swait.ge [sflag:s31], $0x1A00  }
0x34: {  	[sflag:s31] =	ssyncset.done $0x0  }
0x35: {  	[sflag:s31] =	ssyncadd.s32 $0xFFFFE600  }
0x36: {  	_ =	swait.ge [sflag:s31], $0x1800  }
0x37: {  	[sflag:s31] =	ssyncset.done $0x0  }
0x38: {  	[sflag:s31] =	ssyncadd.s32 $0xFFFFE800  }
0x39: {  	_ =	swait.ge [sflag:s31], $0x1A00  }
0x3a: {  	[sflag:s31] =	ssyncset.done $0x0  }
0x3b: {  	s21 =	simm.s32 $0x0;
	[sflag:s31] =	ssyncadd.s32 $0xFFFFE600  }
0x3c: {  	v3 =	vld [tilespmem:s21+$0xCB20]  }
0x3d: {  	v1 =	vld [tilespmem:s21+$0xCB30]  }
0x3e: {  	v0 =	vld [tilespmem:s21+$0xCB40]  }
0x3f: {  	v2 =	vld [tilespmem:s21+$0xCB50]  }
0x40: {  	v8 =	vld [tilespmem:s21+$0x320]  }
0x41: {  	v10 =	vld [tilespmem:s21+$0x3520]  }
0x42: {  	v7 =	vld [tilespmem:s21+$0x330]  }
0x43: {  	v6 =	vld [tilespmem:s21+$0x3530]  }
0x44: {  	v4 =	vld [tilespmem:s21+$0x340]  }
0x45: {  	v5 =	vld [tilespmem:s21+$0x3540];
	v9 =	vadd.f32 v8, v3  }
0x46: {  	s7 =	simm.s32 $0x100;
	v8 =	vadd.f32 v10, v3;
	v3 =	vld [tilespmem:s21+$0x350]  }
.LBB2_3:
0x47: {  	s8 =	sshra.s32 s7, $0x2;
	p0 =	sne.s32 s7, $0xC700;
	[tilespmem:s21+$0x320] =	vst v9;
	v7 =	vadd.f32 v7, v1;
	v9 =	vld [tilespmem:s21+$0x3550]  }
0x48: {  	v10 =	vld [tilespmem:s8+$0xCB20];
	[tilespmem:s21+$0x3520] =	vst v8;
	v6 =	vadd.f32 v6, v1  }
0x49: {  	v1 =	vld [tilespmem:s8+$0xCB30];
	[tilespmem:s21+$0x330] =	vst v7;
	v4 =	vadd.f32 v4, v0  }
0x4a: {  	[tilespmem:s21+$0x3530] =	vst v6;
	v5 =	vadd.f32 v5, v0;
	v0 =	vld [tilespmem:s8+$0xCB40]  }
0x4b: {  	v8 =	vld [tilespmem:s8+$0xCB50];
	[tilespmem:s21+$0x340] =	vst v4;
	v3 =	vadd.f32 v3, v2  }
0x4c: {  	v11 =	vld [tilespmem:s8+$0x320];
	[tilespmem:s21+$0x3540] =	vst v5;
	v2 =	vadd.f32 v9, v2  }
0x4d: {  	v12 =	vld [tilespmem:s8+$0x3520];
	[tilespmem:s21+$0x350] =	vst v3  }
.Ltmp0:
0x4e: {  	v7 =	vld [tilespmem:s8+$0x330];
	[tilespmem:s21+$0x3550] =	vst v2;
	s21 =	smov.u32 s8;
	(pc) =	sbr.rel @p0 .LBB2_3-.Ltmp0, $4  }
0x4f: {  	v6 =	vld [tilespmem:s21+$0x3530]  }
0x50: {  	v4 =	vld [tilespmem:s21+$0x340];
	v2 =	vmov v8  }
0x51: {  	v9 =	vadd.f32 v11, v10;
	v5 =	vld [tilespmem:s21+$0x3540]  }
0x52: {  	s7 =	sadd.s32 $0x100, s7;
	v8 =	vadd.f32 v12, v10;
	v3 =	vld [tilespmem:s21+$0x350]  }
0x53: {  	[tilespmem:s21+$0x320] =	vst v9;
	v7 =	vadd.f32 v7, v1;
	v9 =	vld [tilespmem:s21+$0x3550]  }
0x54: {  	[tilespmem:s21+$0x3520] =	vst v8;
	v1 =	vadd.f32 v6, v1  }
0x55: {  	[tilespmem:s21+$0x330] =	vst v7;
	v4 =	vadd.f32 v4, v0  }
0x56: {  	[tilespmem:s21+$0x3530] =	vst v1;
	v0 =	vadd.f32 v5, v0  }
0x57: {  	s7 =	sadd.s32 s4, s20;
	[tilespmem:s21+$0x340] =	vst v4;
	v1 =	vadd.f32 v3, v2  }
0x58: {  	s7 =	smul.u32 $0x640, s7;
	[tilespmem:s21+$0x3540] =	vst v0;
	v0 =	vadd.f32 v9, v2  }
0x59: {  	[tilespmem:s21+$0x350] =	vst v1  }
0x5a: {  	p0 =	seq.s32 s18, $0x1F;
	s7 =	sadd.s32 s2, s7;
	[tilespmem:s21+$0x3550] =	vst v0  }
0x5b: {  	[hbm4b:s7+s3] =	stream.linear.scatter [tilespmem:s15], [sflag:$0x3], $0x6400, $0x38;
	[tilespmem:$0xFD20] =	vst v63  }
0x5c: {  	s8 =	sadd.s32 @!p0 s20, s10;
	s7 =	simm.s32 @!p0 $0x3  }
0x5d: {  	s8 =	smul.u32 @!p0 $0x19, s8;
	_ =	swait.ge @!p0 [sflag:s7], $0x6400  }
0x5e: {  	[sflag:s7] =	ssyncset.done @!p0 $0x0  }
0x5f: {  	[sflag:s7] =	ssyncadd.s32 @!p0 $0xFFFF9C00;
	s7 =	sadd.s32 @!p0 s5, s8;
	s8 =	simm.s32 @!p0 $0x0  }
0x60: {  	[tilespmem:s8], [sflag:$0x5] =	stream.linear.gather @!p0 [hbm4b:s7+s8], $0x190, $0x38;
	[tilespmem:$0xFD20] =	vst v63  }
0x61: {  	s7 =	simm.s32 @!p0 $0x5  }
0x62: {  	_ =	swait.ge @!p0 [sflag:s7], $0x190  }
0x63: {  	[sflag:s7] =	ssyncset.done @!p0 $0x0  }
0x64: {  	s20 =	simm.s32 @!p0 $0x320;
	[sflag:s7] =	ssyncadd.s32 @!p0 $0xFFFFFE70;
	s7 =	simm.s32 @!p0 $0x60  }
0x65: {  	[tilespmem:s20], [sflag:$0x1] =	stream.indirect.gather @!p0 [hbm4b:s6+s7], $0x40, s8, s7, $0xb8;
	[tilespmem:$0xFD20] =	vst v63  }
0x66: {  	s8 =	simm.s32 @!p0 $0x68;
	s20 =	simm.s32 @!p0 $0x1B20  }
0x67: {  	[tilespmem:s20], [sflag:$0x1] =	stream.indirect.gather @!p0 [hbm4b:s6+s8], $0x40, s7, s8, $0xb8;
	[tilespmem:$0xFD20] =	vst v63  }
0x68: {  	s21 =	simm.s32 @!p0 $0x3520;
	s20 =	simm.s32 @!p0 $0xC8  }
0x69: {  	[tilespmem:s21], [sflag:$0x1] =	stream.indirect.gather @!p0 [hbm4b:s6+s7], $0x40, s20, s7, $0xb8;
	[tilespmem:$0xFD20] =	vst v63  }
0x6a: {  	s7 =	simm.s32 @!p0 $0x128;
	s20 =	simm.s32 @!p0 $0x4D20  }
0x6b: {  	[tilespmem:s20], [sflag:$0x1] =	stream.indirect.gather @!p0 [hbm4b:s6+s8], $0x40, s7, s8, $0xb8;
	[tilespmem:$0xFD20] =	vst v63  }
0x6c: {  	_ =	swait.ge [sflag:s0], $0x1800  }
0x6d: {  	[sflag:s0] =	ssyncset.done $0x0  }
0x6e: {  	[sflag:s0] =	ssyncadd.s32 $0xFFFFE800  }
0x6f: {  	_ =	swait.ge [sflag:s0], $0x1A00  }
0x70: {  	[sflag:s0] =	ssyncset.done $0x0  }
0x71: {  	[sflag:s0] =	ssyncadd.s32 $0xFFFFE600  }
0x72: {  	_ =	swait.ge [sflag:s0], $0x1800  }
0x73: {  	[sflag:s0] =	ssyncset.done $0x0  }
0x74: {  	[sflag:s0] =	ssyncadd.s32 $0xFFFFE800  }
0x75: {  	_ =	swait.ge [sflag:s0], $0x1A00  }
0x76: {  	[sflag:s0] =	ssyncset.done $0x0  }
0x77: {  	s20 =	simm.s32 $0x0;
	[sflag:s0] =	ssyncadd.s32 $0xFFFFE600  }
0x78: {  	v3 =	vld [tilespmem:s20+$0xCB20]  }
0x79: {  	v1 =	vld [tilespmem:s20+$0xCB30]  }
0x7a: {  	v0 =	vld [tilespmem:s20+$0xCB40]  }
0x7b: {  	v2 =	vld [tilespmem:s20+$0xCB50]  }
0x7c: {  	v8 =	vld [tilespmem:s20+$0x6720]  }
0x7d: {  	v10 =	vld [tilespmem:s20+$0x9920]  }
0x7e: {  	v7 =	vld [tilespmem:s20+$0x6730]  }
0x7f: {  	v6 =	vld [tilespmem:s20+$0x9930]  }
0x80: {  	v4 =	vld [tilespmem:s20+$0x6740]  }
0x81: {  	v5 =	vld [tilespmem:s20+$0x9940];
	v9 =	vadd.f32 v8, v3  }
0x82: {  	s7 =	simm.s32 $0x100;
	v8 =	vadd.f32 v10, v3;
	v3 =	vld [tilespmem:s20+$0x6750]  }
.LBB2_5:
0x83: {  	s8 =	sshra.s32 s7, $0x2;
	p0 =	sne.s32 s7, $0xC700;
	[tilespmem:s20+$0x6720] =	vst v9;
	v7 =	vadd.f32 v7, v1;
	v9 =	vld [tilespmem:s20+$0x9950]  }
0x84: {  	v10 =	vld [tilespmem:s8+$0xCB20];
	[tilespmem:s20+$0x9920] =	vst v8;
	v6 =	vadd.f32 v6, v1  }
0x85: {  	v1 =	vld [tilespmem:s8+$0xCB30];
	[tilespmem:s20+$0x6730] =	vst v7;
	v4 =	vadd.f32 v4, v0  }
0x86: {  	[tilespmem:s20+$0x9930] =	vst v6;
	v5 =	vadd.f32 v5, v0;
	v0 =	vld [tilespmem:s8+$0xCB40]  }
0x87: {  	v8 =	vld [tilespmem:s8+$0xCB50];
	[tilespmem:s20+$0x6740] =	vst v4;
	v3 =	vadd.f32 v3, v2  }
0x88: {  	v11 =	vld [tilespmem:s8+$0x6720];
	[tilespmem:s20+$0x9940] =	vst v5;
	v2 =	vadd.f32 v9, v2  }
0x89: {  	v12 =	vld [tilespmem:s8+$0x9920];
	[tilespmem:s20+$0x6750] =	vst v3  }
.Ltmp1:
0x8a: {  	v7 =	vld [tilespmem:s8+$0x6730];
	[tilespmem:s20+$0x9950] =	vst v2;
	s20 =	smov.u32 s8;
	(pc) =	sbr.rel @p0 .LBB2_5-.Ltmp1, $4  }
0x8b: {  	v6 =	vld [tilespmem:s20+$0x9930]  }
0x8c: {  	v4 =	vld [tilespmem:s20+$0x6740];
	v2 =	vmov v8  }
0x8d: {  	v9 =	vadd.f32 v11, v10;
	v5 =	vld [tilespmem:s20+$0x9940]  }
0x8e: {  	s7 =	sadd.s32 $0x100, s7;
	v8 =	vadd.f32 v12, v10;
	v3 =	vld [tilespmem:s20+$0x6750]  }
0x8f: {  	[tilespmem:s20+$0x6720] =	vst v9;
	v7 =	vadd.f32 v7, v1;
	v59 =	vld [tilespmem:s20+$0x9950]  }
0x90: {  	[tilespmem:s20+$0x9920] =	vst v8;
	v60 =	vadd.f32 v6, v1  }
0x91: {  	s18 =	sadd.s32 $0x1, s18;
	[tilespmem:s20+$0x6730] =	vst v7;
	v4 =	vadd.f32 v4, v0  }
0x92: {  	p0 =	sne.s32 s18, $0x20;
	[tilespmem:s20+$0x9930] =	vst v60;
	v61 =	vadd.f32 v5, v0  }
.Ltmp2:
0x93: {  	[tilespmem:s20+$0x6740] =	vst v4;
	v62 =	vadd.f32 v3, v2;
	(pc) =	sbr.rel @p0 .LBB2_2-.Ltmp2, $4  }
0x94: {  	s7 =	smul.u32 $0x640, s19;
	[tilespmem:s20+$0x9940] =	vst v61;
	v63 =	vadd.f32 v59, v2  }
0x95: {  	[tilespmem:s20+$0x6750] =	vst v62  }
0x96: {  	s7 =	sadd.s32 s2, s7;
	[tilespmem:s20+$0x9950] =	vst v63  }
0x97: {  	[hbm4b:s7+s3] =	stream.linear.scatter [tilespmem:s23], [sflag:$0x4], $0x6400, $0x38;
	[tilespmem:$0xFD20] =	vst v63  }
0x98: {  	s17 =	sadd.s32 $0x1, s17  }
0x99: {  	_ =	swait.ge [sflag:s1], $0x6400;
	p0 =	sne.s32 s17, s11  }
.Ltmp3:
0x9a: {  	[sflag:s1] =	ssyncset.done $0x0;
	(pc) =	sbr.rel @p0 .LBB2_1-.Ltmp3, $4  }
0x9b: {  	[sflag:s1] =	ssyncadd.s32 $0xFFFF9C00  }
0x9c: {  	_ =	swait.ge [sflag:s12], $0x6400  }
0x9d: {  	[sflag:s12] =	ssyncset.done $0x0  }
0x9e: {  	[sflag:s12] =	ssyncadd.s32 $0xFFFF9C00  }
0x9f: {  	_ =	sfence.sel $0x180000  }
0xa0: {  	[bflag:$0x0] =	sbarrier.arrive $0xFFFF  }
0xa1: {  	_ =	strace $0x90000047  }
0xa2: {  	s0 =	stileid.u32;
	[bflag:$0x2] =	sbarrier.arrive $0xFFFF  }
0xa3: {  	p0 =	sne.s32 s0, $0x0;
	s0 =	rddreg [dreg:$0x2]  }
0xa4: {  	s0 =	sadd.s32 @!p0 $0x100000, s0  }
0xa5: {  	[sflag:s0] =	ssyncadd.tile.s32 @!p0 $0x1;
	_ =	shalt  }
.Lfunc_end2:
_tile_overlayer_lowered:
.L_overlay_start_2:
0xa6: {  	(tag) =	ssettag $0x2  }
0xa7: {  	s0 =	rddreg [dreg:$0x0];
	s2 =	stileid.u32  }
0xa8: {  	s1 =	rddreg [dreg:$0x1];
	p0 =	sne.s32 s2, $0x0  }
0xa9: {  	s3 =	rddreg [dreg:$0x2];
	[bflag:$0x3] =	sbarrier.arrive $0xFFFF;
	s2 =	simm.s32 @!p0 $0x1C05  }
0xaa: {  	[timem:s3], [sflag:s2] =	dma.local @!p0 [hbm:s0], s1  }
0xab: {  	s0 =	simm.s32 @!p0 $0x5  }
0xac: {  	_ =	swait.ge @!p0 [sflag:s0], s1  }
0xad: {  	s1 =	ssub.s32 @!p0 $0x0, s1;
	[sflag:s0] =	ssyncset.done @!p0 $0x0  }
0xae: {  	[sflag:s0] =	ssyncadd.s32 @!p0 s1  }
0xaf: {  	[bflag:$0x3] =	sbarrier.arrive $0xFFFF  }
0xb0: {  	_ =	shalt  }

// kernel: sparse-core-data-format-call.cloned.1.call-start
scs
called_computation_lowered:
.L_overlay_start_0:
0x0: {  	s2 =	sld [smem:$0x3FD9]  }
0x1: {  	s3 =	sld [smem:$0x3FFE];
	_ =	sdelay $0x1  }
0x2: {  	s1 =	srdreg.scid  }
0x3: {  	s0 =	sand.u32 $0x1, s1  }
0x4: {  	s18 =	sshll.u32 s0, $0xA;
	s2 =	sadd.s32 s3, s2  }
0x5: {  	s2 =	sadd.s32 s2, s18  }
0x6: {  	[smem:$0x3FC5] =	sst s2  }
0x7: {  	_ = 	snop  }
0x8: {  	s2 =	sld [smem:$0x3FD0];
	(tm) =	ssettm $0x1  }
0x9: {  	s19 =	sld [smem:$0x3FFB];
	_ =	sdelay $0x3  }
0xa: {  	_ =	strace s19  }
0xb: {  	s3 =	sld [smem:$0x3FFC];
	_ =	sdelay $0x3  }
0xc: {  	_ =	strace s3  }
0xd: {  	s3 =	sld [smem:$0x3FFD];
	_ =	sdelay $0x3  }
0xe: {  	_ =	strace s3  }
0xf: {  	_ =	strace $0x8FFFFFFF  }
0x10: {  	s20 =	sld [smem:$0x3FDB];
	_ =	sdelay $0x1  }
0x11: {  	s4 =	simm.s32 $_scs_section_size  }
0x12: {  	s5 =	simm.s32 $_size__tile_overlayer_lowered;
	s6 =	simm.s32 $_tile_overlayer_lowered  }
0x13: {  	s23 =	simm.s32 $0x1BFF;
	s22 =	sshll.u32 s6, $0x1;
	s3 =	sadd.s32 s4, s20  }
0x14: {  	s7 =	simm.s32 $0x0;
	s21 =	sshll.u32 s5, $0x1;
	s5 =	sadd.s32 s22, s3  }
0x15: {  	[timem:s7], [sflag:s23] =	dma.local [hbm:s5], s21  }
0x16: {  	_ =	swait.ge [sflag:s23], s21  }
0x17: {  	s4 =	ssub.s32 $0x0, s21;
	[sflag:s23] =	ssyncset.done $0x0  }
0x18: {  	[sflag:s23] =	ssyncadd.s32 s4;
	_ =	sdelay $0x1  }
0x19: {  	s24 =	simm.s32 $0x1B8B  }
0x1a: {  	_ =	swait.ge [sflag:s24], $0x1  }
0x1b: {  	[sflag:s24] =	ssyncset.done $0x0  }
0x1c: {  	s26 =	simm.s32 $0x1B8E;
	s25 =	sld [smem:$0x3FFE];
	[sflag:s24] =	ssyncadd.s32 $0xFFFFFFFF  }
0x1d: {  	s27 =	simm.s32 $execute0_lowered;
	[smem:$0x3FD2] =	sst s26  }
0x1e: {  	s5 =	sshll.u32 s27, $0x1;
	_ =	strace $0x80000049;
	[dreg:$0x1] =	wrdreg $0xFFFFFFFF  }
0x1f: {  	s28 =	simm.s32 $_size_execute0_lowered;
	s3 =	sadd.s32 s3, s5;
	[dreg:$0x0] =	wrdreg $0x0  }
0x20: {  	s5 =	sshll.u32 s28, $0x1;
	[dreg:$0x2] =	wrdreg s3  }
0x21: {  	[dreg:$0x3] =	wrdreg s5  }
0x22: {  	[dreg:$0x4] =	wrdreg $0xC0  }
0x23: {  	_ =	task [dreg:s7], $0x5FFFF  }
0x24: {  	[dreg:$0x1] =	wrdreg $0xFFFFFFFF  }
0x25: {  	[dreg:$0x0] =	wrdreg $0x60  }
0x26: {  	[dreg:$0x2] =	wrdreg s25  }
0x27: {  	[dreg:$0x3] =	wrdreg s2  }
0x28: {  	[dreg:$0x4] =	wrdreg $0x9  }
0x29: {  	_ =	task.clear_ibuf [dreg:s7], $0x5FFFF;
	_ =	strace $0x90000049  }
0x2a: {  	s29 =	simm.s32 $0x9;
	_ =	strace $0x8000004B  }
0x2b: {  	_ =	swait.ge [sflag:s29], $0x1  }
0x2c: {  	[sflag:s29] =	ssyncadd.s32 $0xFFFFFFFF  }
0x2d: {  	_ =	strace $0x9000004B  }
0x2e: {  	_ =	sfence  }
0x2f: {  	s30 =	sld [smem:$0x0];
	_ =	sdelay $0x2  }
0x30: {  	s31 =	sshll.u32 s1, $0xD;
	s1 =	sshrl.u32 s1, $0x2  }
0x31: {  	s3 =	sand.u32 $0x4000, s31;
	s1 =	sadd.s32 s1, s30  }
0x32: {  	s0 =	sor.u32 s3, s0;
	s1 =	sshll.u32 s1, $0x11  }
0x33: {  	s0 =	sor.u32 s1, s0  }
0x34: {  	s0 =	sadd.s32 $0x8F2B, s0  }
0x35: {  	[sflag:s0] =	ssyncadd.remote.s32 $0x1  }
0x36: {  	_ =	sfence.sel $0xFFFF  }
0x37: {  	[dreg:$0x0] =	wrdreg $0xFFFFFFFF;
	(pc) =	sbr.abs _section_cstart, $3  }
0x38: {  	[dreg:$0x1] =	wrdreg $0xFFFFFFFF  }
0x39: {  	_ =	task.clear_ibuf [dreg:s7], $0x2FFFF;
	_ =	strace $0x9FFFFFFF  }
0x3a: {  	(tm) =	ssettm $0x7FFFFFFF  }
0x3b: {  	_ =	shalt  }
tec
execute0_lowered:
.L_overlay_start_1:
0x0: {  	(tag) =	ssettag $0x1  }
0x1: {  	s0 =	srdreg.scid  }
0x2: {  	s1 =	sshll.u32 s0, $0x4  }
0x3: {  	s0 =	stileid.u32;
	s1 =	sand.u32 $0x10, s1  }
0x4: {  	s1 =	sor.u32 s0, s1  }
0x5: {  	s6 =	rddreg [dreg:$0x0];
	s4 =	simm.s32 $0x1;
	s2 =	sshll.u32 s1, $0x7  }
0x6: {  	s7 =	simm.s32 $0x2;
	s12 =	simm.s32 $0x0;
	s1 =	ssub.s32 $0x1000, s2  }
0x7: {  	s8 =	simm.s32 $0x8000;
	s13 =	simm.s32 $0x0;
	s3 =	sand.u32 $0xF80, s1  }
0x8: {  	s9 =	simm.s32 $0x0;
	s5 =	sshrl.u32 s1, $0xC;
	p0 =	sne.s32 s3, $0x0  }
.Ltmp0:
0x9: {  	s1 =	rddreg [dreg:$0x2];
	s4 =	simm.s32 @!p0 $0x0;
	(pc) =	sbr.rel .LBB1_1-.Ltmp0, $4  }
0xa: {  	s11 =	simm.s32 $0x0;
	s3 =	rddreg [dreg:$0x1];
	s5 =	sadd.s32 s4, s5  }
0xb: {  	_ =	strace $0x8000004A;
	s4 =	simm.s32 $0x1;
	s5 =	smul.u32 $0xC8, s5  }
0xc: {  	s6 =	sadd.s32 $0xC00, s6;
	s10 =	smov.u32 s2;
	[sflag:s4] =	ssyncpa.u1 $0x0  }
0xd: {  	p0 =	por $0x0, $0x0;
	[sflag:s7] =	ssyncpa.u1 $0x0;
	s7 =	sor.u32 $0x1, s5  }
.LBB1_4:
0xe: {  	s16 =	sshll.u32 s13, $0x3;
	s17 =	sand.u32 $0x78, s13  }
0xf: {  	s30 =	sand.u32 $0x7E00, s13;
	s12 =	sshll.u32 s12, $0xF;
	s16 =	sand.u32 $0xC00, s16  }
0x10: {  	[tilespmem:s15+$0x810 ss:$0x81] =	vst.msk $0xffff, v2;
	s31 =	sand.u32 $0x7, s13;
	s16 =	sor.u32 s17, s16;
	s17 =	sadd.s32 s3, s30  }
0x11: {  	[tilespmem:s15+$0x1020 ss:$0x81] =	vst.msk $0xffff, v0;
	s13 =	sshll.u32 s31, $0x12;
	s12 =	sadd.s32 s12, s17;
	s16 =	sshrl.u32 s16, $0x3  }
0x12: {  	[tilespmem:s15+$0x0 ss:$0x81] =	vst.msk $0xffff, v1;
	s13 =	sor.u32 $0x400, s13;
	s12 =	sadd.s32 s16, s12  }
0x13: {  	[hbm4b:s12+s13] =	stream.strided.scatter [tilespmem:s14], [sflag:$0x2], $0x2000, s8, s13, $0x20;
	[tilespmem:$0x8080] =	vst v63  }
.LBB1_5:
0x14: {  	s14 =	sadd.s32 $0x1, s9  }
0x15: {  	s12 =	sadd.s32 $0x1000, s10;
	s16 =	smov.u32 s10;
	p2 =	sgt.s32 s14, $0xC7  }
0x16: {  	s16 =	smov.u32 @p2 s12  }
0x17: {  	s14 =	simm.s32 @p2 $0x0;
	p2 =	sgt.s32 s16, $0xFFF  }
0x18: {  	s16 =	smov.u32 @p2 s2;
	p2 =	sne.s32 s11, s7  }
.Ltmp1:
0x19: {  	p1 =	slt.u32 s11, $0x2;
	(pc) =	sbr.rel @!p2 .LBB1_6-.Ltmp1, $4  }
0x1a: {  	s15 =	simm.s32 @!p1 $0x2  }
0x1b: {  	s13 =	smov.u32 s10;
	p0 =	por !p0, !p0;
	_ =	swait.ge @!p1 [sflag:s15], $0x2000  }
0x1c: {  	s12 =	smov.u32 s9;
	[sflag:s15] =	ssyncset.done @!p1 $0x0;
	s9 =	smov.u32 s14  }
0x1d: {  	s11 =	sadd.s32 $0x1, s11;
	[sflag:s15] =	ssyncadd.s32 @!p1 $0xFFFFE000;
	s10 =	smov.u32 s16  }
.LBB1_1:
0x1e: {  	p1 =	sge.u32 s11, s5  }
0x1f: {  	s14 =	sand.u32 @!p1 $0x1FFFFFF, s9  }
0x20: {  	s15 =	smulhi.u32 @!p1 $0x147AE15, s14;
	_ =	sdelay $0x1  }
0x21: {  	s15 =	smul.u32 @!p1 $0xC8, s15  }
0x22: {  	s16 =	sxor.u32 @!p1 $0xFFFFFFFF, s11;
	s17 =	smul.u32 @!p1 $0xC80, s10  }
0x23: {  	s31 =	sadd.s32 $0xFFFFFFFF, s11;
	s16 =	sshll.u32 @!p1 s16, $0xD;
	s14 =	ssub.s32 @!p1 s14, s15  }
0x24: {  	s15 =	sand.u32 @!p1 $0x2000, s16;
	s16 =	sadd.s32 @!p1 s6, s17;
	s14 =	sshll.u32 @!p1 s14, $0x4  }
0x25: {  	s17 =	simm.s32 @!p1 $0x6400;
	s14 =	sadd.s32 @!p1 s14, s16;
	s16 =	simm.s32 @!p1 $0x40  }
0x26: {  	[tilespmem:s15], [sflag:$0x1] =	stream.strided.gather @!p1 [hbm4b:s14+s16], $0x2000, s17, s16, $0x38;
	[tilespmem:$0x8080] =	vst v63  }
0x27: {  	p1 =	sge.u32 s31, s5  }
.Ltmp2:
0x28: {  	_ = 	snop;
	(pc) =	sbr.rel @p1 .LBB1_5-.Ltmp2, $1  }
0x29: {  	_ =	sdelay $0x3  }
0x2a: {  	s14 =	simm.s32 $0x1  }
0x2b: {  	_ =	swait.ge [sflag:s4], $0x2000;
	s14 =	simm.s32 @!p0 $0x0  }
0x2c: {  	[sflag:s4] =	ssyncset.done $0x0;
	s15 =	sshll.u32 s14, $0xD  }
0x2d: {  	[sflag:s4] =	ssyncadd.s32 $0xFFFFE000;
	s18 =	sor.u32 $0x20, s15  }
0x2e: {  	s14 =	smul.u32 $0x8100, s14;
	v3 =	vld [tilespmem:s18+$0x10]  }
0x2f: {  	s30 =	sand.u32 $0x1, s11;
	v2 =	vld [tilespmem:s18+$0xFFFFFFF0]  }
0x30: {  	s15 =	smul.u32 $0x8100, s30;
	s14 =	sshrl.u32 s14, $0x2;
	v0 =	vld [tilespmem:s18+$0x0]  }
0x31: {  	v1 =	vld [tilespmem:s18+$0xFFFFFFE0];
	s16 =	sor.u32 $0x4000, s14  }
0x32: {  	s31 =	sshrl.u32 s15, $0x2;
	s15 =	sadd.s32 $0x0, s16  }
0x33: {  	s17 =	simm.s32 $0x4;
	s18 =	sadd.s32 $0x40, s18;
	s14 =	sor.u32 $0x4000, s31;
	[tilespmem:s15+$0x1830 ss:$0x81] =	vst.msk $0xffff, v3  }
.LBB1_3:
0x34: {  	v3 =	vld [tilespmem:s18+$0x10];
	p1 =	sne.s32 s17, $0x1FC;
	[tilespmem:s15+$0x810 ss:$0x81] =	vst.msk $0xffff, v2;
	s19 =	smov.u32 s17;
	s17 =	sadd.s32 $0x4, s17  }
.Ltmp3:
0x35: {  	v2 =	vld [tilespmem:s18+$0xFFFFFFF0];
	[tilespmem:s15+$0x1020 ss:$0x81] =	vst.msk $0xffff, v0;
	(pc) =	sbr.rel @p1 .LBB1_3-.Ltmp3, $4  }
0x36: {  	v0 =	vld [tilespmem:s18+$0x0];
	[tilespmem:s15+$0x0 ss:$0x81] =	vst.msk $0xffff, v1  }
0x37: {  	s15 =	sshra.s32 s19, $0x2;
	v1 =	vld [tilespmem:s18+$0xFFFFFFE0]  }
0x38: {  	s15 =	sadd.s32 s15, s16  }
0x39: {  	s18 =	sadd.s32 $0x40, s18;
	[tilespmem:s15+$0x1830 ss:$0x81] =	vst.msk $0xffff, v3  }
.Ltmp4:
0x3a: {  	_ = 	snop;
	(pc) =	sbr.rel .LBB1_4-.Ltmp4, $1  }
0x3b: {  	_ =	sdelay $0x3  }
.LBB1_6:
0x3c: {  	_ =	sfence.sel $0x180000  }
0x3d: {  	s2 =	simm.s32 $0x1;
	[bflag:$0x0] =	sbarrier.arrive $0xFFFF  }
0x3e: {  	s31 =	simm.s32 $0x2;
	[sflag:s2] =	ssyncpa.u1 $0x1  }
0x3f: {  	[sflag:s31] =	ssyncpa.u1 $0x1  }
0x40: {  	p0 =	sne.s32 s0, $0x0;
	_ =	strace $0x9000004A  }
0x41: {  	s0 =	sadd.s32 @!p0 $0x100000, s1;
	[bflag:$0x2] =	sbarrier.arrive $0xFFFF  }
0x42: {  	[sflag:s0] =	ssyncadd.tile.s32 @!p0 $0x1;
	_ =	shalt  }
.Lfunc_end1:
_tile_overlayer_lowered:
.L_overlay_start_2:
0x43: {  	(tag) =	ssettag $0x2  }
0x44: {  	s0 =	rddreg [dreg:$0x0];
	s2 =	stileid.u32  }
0x45: {  	s1 =	rddreg [dreg:$0x1];
	p0 =	sne.s32 s2, $0x0  }
0x46: {  	s3 =	rddreg [dreg:$0x2];
	[bflag:$0x3] =	sbarrier.arrive $0xFFFF;
	s2 =	simm.s32 @!p0 $0x1C01  }
0x47: {  	[timem:s3], [sflag:s2] =	dma.local @!p0 [hbm:s0], s1  }
0x48: {  	s0 =	simm.s32 @!p0 $0x1  }
0x49: {  	_ =	swait.ge @!p0 [sflag:s0], s1  }
0x4a: {  	s1 =	ssub.s32 @!p0 $0x0, s1;
	[sflag:s0] =	ssyncset.done @!p0 $0x0  }
0x4b: {  	[sflag:s0] =	ssyncadd.s32 @!p0 s1  }
0x4c: {  	[bflag:$0x3] =	sbarrier.arrive $0xFFFF  }
0x4d: {  	_ =	shalt  }

</sc_bundles>
